<compile_context>
chip_gen: v7x
topology: tpu7x:2x2x1
jax: 0.10.2.dev20260603
libtpu: 0.0.44.dev20260713+nightly
codegen_flags: <defaults>
</compile_context>

<pallas_src>
import functools

import jax
import jax.numpy as jnp
from jax import lax
from jax.experimental import pallas as pl
from jax.experimental.pallas import tpu as pltpu
from jax.experimental.pallas import tpu_sc as plsc

NX = NY = 100
N = NX * NY
D = 64
P = 104
BN = 1000
NBLK = N // BN
EVL = 27
NS_ITERS = 14

_DELTAS = (1, -1, NY, -NY, NY - 1, -(NY - 1))
_HI = lax.Precision.HIGHEST

SC_NC = 2
SC_NW = 32
SC_NWB = 16
NPAD = 10240
WNODES = NPAD // SC_NWB
VL = 16


def _evpack_sc_body(x0_ref, x1_ref, x2_ref, out_ref, s0, s1, s2, stage):
    wid = lax.axis_index("s") * SC_NC + lax.axis_index("c")
    b = wid >> 4
    wloc = wid & 15
    start = wloc * WNODES
    xstride = NPAD + 2 * P
    f32 = jnp.float32

    pltpu.sync_copy(x0_ref.at[pl.ds(b * xstride + start, WNODES + 2 * P)], s0)
    pltpu.sync_copy(x1_ref.at[pl.ds(b * xstride + start, WNODES + 2 * P)], s1)
    pltpu.sync_copy(x2_ref.at[pl.ds(b * xstride + start, WNODES + 2 * P)], s2)

    def chunk(j, carry):
        node = start + j * VL + lax.iota(jnp.int32, VL)
        r = (node * 10486) >> 20
        c = node - r * NY
        x0c = s0[pl.ds(P + j * VL, VL)]
        x1c = s1[pl.ds(P + j * VL, VL)]
        x2c = s2[pl.ds(P + j * VL, VL)]

        fields = []
        sev0 = jnp.zeros((VL,), f32)
        sev1 = jnp.zeros((VL,), f32)
        sev2 = jnp.zeros((VL,), f32)
        c00 = jnp.zeros((VL,), f32)
        c01 = jnp.zeros((VL,), f32)
        c02 = jnp.zeros((VL,), f32)
        c11 = jnp.zeros((VL,), f32)
        c12 = jnp.zeros((VL,), f32)
        c22 = jnp.zeros((VL,), f32)
        for dlt in _DELTAS:
            if dlt == 1:
                m = c <= NY - 2
            elif dlt == -1:
                m = c >= 1
            elif dlt == NY:
                m = r <= NX - 2
            elif dlt == -NY:
                m = r >= 1
            elif dlt == NY - 1:
                m = (r <= NX - 2) & (c >= 1)
            else:
                m = (r >= 1) & (c <= NY - 2)
            mf = jnp.where(m, 1.0, 0.0).astype(f32)
            e0 = mf * (x0c - s0[pl.ds(P + j * VL + dlt, VL)])
            e1 = mf * (x1c - s1[pl.ds(P + j * VL + dlt, VL)])
            e2 = mf * (x2c - s2[pl.ds(P + j * VL + dlt, VL)])
            fields += [e0, e1, e2]
            sev0 = sev0 + e0
            sev1 = sev1 + e1
            sev2 = sev2 + e2
            c00 = c00 + e1 * e1 + e2 * e2
            c01 = c01 - e0 * e1
            c02 = c02 - e0 * e2
            c11 = c11 + e0 * e0 + e2 * e2
            c12 = c12 - e1 * e2
            c22 = c22 + e0 * e0 + e1 * e1

        det = (c00 * (c11 * c22 - c12 * c12)
               - c01 * (c01 * c22 - c12 * c02)
               + c02 * (c01 * c12 - c11 * c02))
        inv_det = 1.0 / det
        fields += [sev0, sev1, sev2]
        fields += [(c11 * c22 - c12 * c12) * inv_det,
                   (c02 * c12 - c01 * c22) * inv_det,
                   (c01 * c12 - c02 * c11) * inv_det,
                   (c00 * c22 - c02 * c02) * inv_det,
                   (c02 * c01 - c00 * c12) * inv_det,
                   (c00 * c11 - c01 * c01) * inv_det]

        for f, val in enumerate(fields):
            stage[pl.ds(f * WNODES + j * VL, VL)] = val
        return carry

    lax.fori_loop(0, WNODES // VL, chunk, 0)
    wtile = EVL * WNODES
    pltpu.sync_copy(stage, out_ref.at[pl.ds(wid * wtile, wtile)])


def _evpack_sc(x):
    batch = x.shape[0]
    comps = []
    for k in range(3):
        comps.append(jnp.pad(x[..., k], ((0, 0), (P, P + NPAD - N))).reshape(-1))
    fn = functools.partial(
        pl.kernel,
        mesh=plsc.VectorSubcoreMesh(core_axis_name="c", subcore_axis_name="s"),
        out_type=jax.ShapeDtypeStruct((SC_NW * EVL * WNODES,), jnp.float32),
        scratch_types=[
            pltpu.VMEM((WNODES + 2 * P,), jnp.float32),
            pltpu.VMEM((WNODES + 2 * P,), jnp.float32),
            pltpu.VMEM((WNODES + 2 * P,), jnp.float32),
            pltpu.VMEM((EVL * WNODES,), jnp.float32),
        ],
    )(_evpack_sc_body)
    out = fn(*comps).reshape(batch, SC_NWB, EVL, WNODES)
    return out.transpose(0, 1, 3, 2).reshape(batch, NPAD, EVL)


def _mmT(a, b):
    return lax.dot_general(a, b, dimension_numbers=(((0,), (0,)), ((), ())),
                           preferred_element_type=jnp.float32)


def _grid_masks(node):
    r = node // NY
    c = node - r * NY
    return {1: c <= NY - 2, -1: c >= 1, NY: r <= NX - 2, -NY: r >= 1,
            NY - 1: (r <= NX - 2) & (c >= 1),
            -(NY - 1): (r >= 1) & (c <= NY - 2)}


def _build_lband():
    import numpy as np
    lb = np.zeros((3, BN, BN + 2 * P), np.float32)
    idx = np.arange(BN)
    for v, s in enumerate((0, BN, N - BN)):
        masks = _grid_masks(s + idx)
        deg = np.zeros(BN, np.float32)
        for dlt in _DELTAS:
            m = np.asarray(masks[dlt])
            deg += m
            lb[v, idx[m], P + idx[m] + dlt] = -2.0
        lb[v, idx, P + idx] = 2.0 * deg
    return lb


_LBAND_NP = _build_lband()


def _assembly_body(ev_ref, j_ref, lb_ref, m_ref, out_ref):
    i = pl.program_id(1)
    start = i * BN

    jsup_bf = j_ref[0, pl.ds(start, BN + 2 * P), :]
    evp = ev_ref[0]

    bf = jnp.bfloat16
    bt0 = jnp.zeros((BN, D), bf)
    bt1 = jnp.zeros((BN, D), bf)
    bt2 = jnp.zeros((BN, D), bf)

    def lane(ix):
        return evp[:, ix:ix + 1].astype(bf)

    def jslice(off, k):
        return lax.slice(jsup_bf, (off, k * D), (off + BN, (k + 1) * D))

    for d, dlt in enumerate(_DELTAS):
        e0 = lane(3 * d + 0)
        e1 = lane(3 * d + 1)
        e2 = lane(3 * d + 2)

        js0 = jslice(P + dlt, 0)
        js1 = jslice(P + dlt, 1)
        js2 = jslice(P + dlt, 2)
        bt0 = bt0 + (e1 * js2 - e2 * js1)
        bt1 = bt1 + (e2 * js0 - e0 * js2)
        bt2 = bt2 + (e0 * js1 - e1 * js0)

    j00 = jslice(P, 0)
    j01 = jslice(P, 1)
    j02 = jslice(P, 2)
    se0 = lane(18)
    se1 = lane(19)
    se2 = lane(20)
    bt0 = bt0 - (se1 * j02 - se2 * j01)
    bt1 = bt1 - (se2 * j00 - se0 * j02)
    bt2 = bt2 - (se0 * j01 - se1 * j00)

    lj = lax.dot_general(lb_ref[0], jsup_bf,
                         dimension_numbers=(((1,), (0,)), ((), ())),
                         preferred_element_type=jnp.float32).astype(bf)
    contrib = (_mmT(j00, lj[:, 0:D])
               + _mmT(j01, lj[:, D:2 * D])
               + _mmT(j02, lj[:, 2 * D:3 * D]))

    i00 = lane(21)
    i01 = lane(22)
    i02 = lane(23)
    i11 = lane(24)
    i12 = lane(25)
    i22 = lane(26)
    cb0 = i00 * bt0 + i01 * bt1 + i02 * bt2
    cb1 = i01 * bt0 + i11 * bt1 + i12 * bt2
    cb2 = i02 * bt0 + i12 * bt1 + i22 * bt2
    contrib = contrib - (_mmT(bt0, cb0) + _mmT(bt1, cb1) + _mmT(bt2, cb2))

    b = pl.program_id(0)
    nb = m_ref.shape[0]

    @pl.when(i == 0)
    def _():
        m_ref[pl.ds(b, 1)] = contrib[None]

    @pl.when(i > 0)
    def _():
        m_ref[pl.ds(b, 1)] = m_ref[pl.ds(b, 1)] + contrib[None]

    @pl.when((b == nb - 1) & (i == NBLK - 1))
    def _():
        bd = nb * D
        eye = (lax.broadcasted_iota(jnp.int32, (bd, bd), 0)
               == lax.broadcasted_iota(jnp.int32, (bd, bd), 1)).astype(jnp.float32)

        def mm(a, c):
            return lax.dot_general(a, c, dimension_numbers=(((1,), (0,)), ((), ())),
                                   preferred_element_type=jnp.float32, precision=_HI)

        rows = [jnp.concatenate([m_ref[bb] if bb2 == bb else jnp.zeros((D, D), jnp.float32)
                                 for bb2 in range(nb)], axis=1) for bb in range(nb)]
        a = jnp.concatenate(rows, axis=0)
        cnorm = jnp.sqrt(jnp.sum(a * a))
        y = a / cnorm
        z = eye
        for _ in range(NS_ITERS):
            t = 1.5 * eye - 0.5 * mm(z, y)
            y = mm(y, t)
            z = mm(t, z)
        total = jnp.sqrt(cnorm) * jnp.sum(y * eye)
        out_ref[...] = jnp.broadcast_to(total / nb, (1, 1))


def _pad_cast_body(j_ref, out_ref):
    i = pl.program_id(1)
    start = i * BN
    out_ref[0, pl.ds(P + start, BN), :] = j_ref[0].astype(jnp.bfloat16)

    @pl.when(i == 0)
    def _():
        z = jnp.zeros((P, 3 * D), jnp.bfloat16)
        out_ref[0, pl.ds(0, P), :] = z
        out_ref[0, pl.ds(N + P, P), :] = z


def _pad_cast(jp):
    batch = jp.shape[0]
    return pl.pallas_call(
        _pad_cast_body,
        grid=(batch, NBLK),
        in_specs=[pl.BlockSpec((1, BN, 3 * D), lambda b, i: (b, i, 0))],
        out_specs=pl.BlockSpec((1, N + 2 * P, 3 * D), lambda b, i: (b, 0, 0)),
        out_shape=jax.ShapeDtypeStruct((batch, N + 2 * P, 3 * D), jnp.bfloat16),
    )(jp)


def _run(evpack, jpad):
    batch = evpack.shape[0]
    lband = jnp.asarray(_LBAND_NP, dtype=jnp.bfloat16)

    def lb_sel(b, i):
        return (jnp.where(i == 0, 0, jnp.where(i == NBLK - 1, 2, 1)), 0, 0)

    _, out = pl.pallas_call(
        _assembly_body,
        grid=(batch, NBLK),
        in_specs=[
            pl.BlockSpec((1, BN, EVL), lambda b, i: (b, i, 0)),
            pl.BlockSpec((1, N + 2 * P, 3 * D), lambda b, i: (b, 0, 0)),
            pl.BlockSpec((1, BN, BN + 2 * P), lb_sel),
        ],
        out_specs=[
            pl.BlockSpec((batch, D, D), lambda b, i: (0, 0, 0)),
            pl.BlockSpec((1, 1), lambda b, i: (0, 0)),
        ],
        out_shape=[
            jax.ShapeDtypeStruct((batch, D, D), jnp.float32),
            jax.ShapeDtypeStruct((1, 1), jnp.float32),
        ],
    )(evpack, jpad, lband)
    return out[0, 0]


def _make_evpack(x):
    batch = x.shape[0]
    idx = jnp.arange(N, dtype=jnp.int32)
    r = idx // NY
    c = idx % NY
    xpad = jnp.pad(x, ((0, 0), (P, P), (0, 0)))
    evs = []
    masks = []
    for dlt in _DELTAS:
        if dlt == 1:
            m = c <= NY - 2
        elif dlt == -1:
            m = c >= 1
        elif dlt == NY:
            m = r <= NX - 2
        elif dlt == -NY:
            m = r >= 1
        elif dlt == NY - 1:
            m = (r <= NX - 2) & (c >= 1)
        else:
            m = (r >= 1) & (c <= NY - 2)
        mf = m.astype(jnp.float32)[None, :, None]
        ev = mf * (x - lax.slice(xpad, (0, P + dlt, 0), (batch, P + dlt + N, 3)))
        evs.append(ev)
        masks.append(jnp.broadcast_to(mf, (batch, N, 1)))
    sev = sum(evs)
    c00 = sum(e[..., 1:2] ** 2 + e[..., 2:3] ** 2 for e in evs)
    c01 = sum(-e[..., 0:1] * e[..., 1:2] for e in evs)
    c02 = sum(-e[..., 0:1] * e[..., 2:3] for e in evs)
    c11 = sum(e[..., 0:1] ** 2 + e[..., 2:3] ** 2 for e in evs)
    c12 = sum(-e[..., 1:2] * e[..., 2:3] for e in evs)
    c22 = sum(-e[..., 0:1] ** 2 - e[..., 1:2] ** 2 for e in evs) * (-1.0)
    det = (c00 * (c11 * c22 - c12 * c12)
           - c01 * (c01 * c22 - c12 * c02)
           + c02 * (c01 * c12 - c11 * c02))
    inv_det = 1.0 / det
    i00 = (c11 * c22 - c12 * c12) * inv_det
    i01 = (c02 * c12 - c01 * c22) * inv_det
    i02 = (c01 * c12 - c02 * c11) * inv_det
    i11 = (c00 * c22 - c02 * c02) * inv_det
    i12 = (c02 * c01 - c00 * c12) * inv_det
    i22 = (c00 * c11 - c01 * c01) * inv_det
    return jnp.concatenate(
        evs + [sev, i00, i01, i02, i11, i12, i22], axis=-1)


def kernel(x, J, edge_index, L_indices, L_vals, k=0):
    del edge_index, L_indices, L_vals, k
    batch = x.shape[0]
    jp = J.reshape(batch, N, 3 * D)
    return _run(_evpack_sc(x), _pad_cast(jp))

# --- scband reference (transcript-rebuilt; emitter-appended) ---
"""Pipeline reference for scband-arap-19232863551498 (READ-ONLY COPY).

The authoritative reference and input builder live on the scoring server;
editing this copy changes nothing except your own understanding.
"""

import jax, jax.numpy as jnp
import numpy as np

NX = NY = 100
N = NX * NY
D = 64
BATCH = 2


def _make_faces(nx, ny):
    idx = np.arange(nx * ny).reshape(nx, ny)
    v00 = idx[:-1, :-1].ravel(); v01 = idx[:-1, 1:].ravel()
    v10 = idx[1:, :-1].ravel(); v11 = idx[1:, 1:].ravel()
    f1 = np.stack([v00, v01, v10], 1)
    f2 = np.stack([v01, v11, v10], 1)
    return np.concatenate([f1, f2], 0).astype(np.int64)


def _build_graph():
    faces = _make_faces(NX, NY)
    pairs = np.concatenate([faces[:, [0, 1]], faces[:, [1, 2]], faces[:, [0, 2]]], 0)
    pairs = np.concatenate([pairs, pairs[:, ::-1]], 0)
    keys = np.unique(pairs[:, 0] * N + pairs[:, 1])
    e0 = keys // N
    e1 = keys % N
    E = e0.shape[0]
    w = np.ones(E, dtype=np.float32)
    deg = np.zeros(N, dtype=np.float32)
    np.add.at(deg, e0, w)
    # get_laplacian (L = D - A), then *2, then kron with I3
    Lr = np.concatenate([e0, np.arange(N, dtype=np.int64)])
    Lc = np.concatenate([e1, np.arange(N, dtype=np.int64)])
    Lw = np.concatenate([-w, deg]) * 2.0
    L_rows = np.concatenate([Lr * 3, Lr * 3 + 1, Lr * 3 + 2])
    L_cols = np.concatenate([Lc * 3, Lc * 3 + 1, Lc * 3 + 2])
    L_vals = np.concatenate([Lw, Lw, Lw]).astype(np.float32)
    return (np.stack([e0, e1], 0), np.stack([L_rows, L_cols], 0), L_vals)


def setup_inputs(seed: int = 0):
    key = jax.random.key(seed)
    k1, k2 = jax.random.split(key)
    edge_index, L_indices, L_vals = _build_graph()
    x = jax.random.normal(k1, (BATCH, N, 3), dtype=jnp.float32)
    J = jax.random.normal(k2, (BATCH, N * 3, D), dtype=jnp.float32)
    return {"x": x, "J": J, "edge_index": jnp.asarray(edge_index),
            "L_indices": jnp.asarray(L_indices), "L_vals": jnp.asarray(L_vals), "k": 0}


def reference(x, J, edge_index, L_indices, L_vals, k=0):
    n = x.shape[1]
    e0, e1 = edge_index[0], edge_index[1]
    E = e0.shape[0]
    w = jnp.ones((E,), dtype=x.dtype)
    I3 = jnp.eye(3, dtype=x.dtype)
    Lr, Lc = L_indices[0], L_indices[1]

    def per_sample(xi, Ji):
        ev = xi[e0] - xi[e1]
        LJ = jax.ops.segment_sum(L_vals[:, None] * Ji[Lc], Lr, num_segments=3 * n)
        JTLJ = Ji.T @ LJ
        pattern = [(0, 1, -ev[:, 2]), (0, 2, ev[:, 1]),
                   (1, 0, ev[:, 2]), (1, 2, -ev[:, 0]),
                   (2, 0, -ev[:, 1]), (2, 1, ev[:, 0])]
        Brows, Bcols, Bvals = [], [], []
        for di, dj, v in pattern:
            Brows.append(e0 * 3 + di); Bcols.append(e1 * 3 + dj); Bvals.append(v * w)
        for di, dj, v in pattern:
            Brows.append(e0 * 3 + di); Bcols.append(e0 * 3 + dj); Bvals.append(v * w)
        Brows = jnp.concatenate(Brows)
        Bcols = jnp.concatenate(Bcols)
        Bvals = jnp.concatenate(Bvals)
        # BTJ = B^T @ J  (entries (r,c,v) of B contribute v*J[r] to row c)
        BTJ = jax.ops.segment_sum(Bvals[:, None] * Ji[Brows], Bcols, num_segments=3 * n)
        ev_sq = (ev * ev).sum(-1)
        Cblk = w[:, None, None] * (ev_sq[:, None, None] * I3 - ev[:, :, None] * ev[:, None, :])
        C = jax.ops.segment_sum(Cblk, e0, num_segments=n)
        Cinv = jnp.linalg.inv(C)
        CBTJ = jnp.matmul(Cinv, BTJ.reshape(n, 3, -1)).reshape(3 * n, -1)
        JTBCBTJ = BTJ.T @ CBTJ
        eig = jnp.linalg.eigvalsh(JTLJ - JTBCBTJ)
        eig = jnp.clip(eig, 0.0) ** 0.5
        return eig.sum()

    traces = jax.vmap(per_sample)(x, J)
    return traces.mean()

if __name__ == "__main__":
    import jax
    _d = setup_inputs()
    print(jax.jit(kernel)(*tuple(_d.values())))

</pallas_src>

<mosaic_0001>
#map = affine_map<(d0, d1) -> (0)>
module attributes {stable_mosaic.version = 14 : i64} {
  func.func @_evpack_sc_body(%arg0: i32, %arg1: i32, %arg2: memref<20896xf32, #tpu.memory_space<hbm>>, %arg3: memref<20896xf32, #tpu.memory_space<hbm>>, %arg4: memref<20896xf32, #tpu.memory_space<hbm>>, %arg5: memref<552960xf32, #tpu.memory_space<hbm>>, %arg6: memref<848xf32, #tpu.memory_space<vmem>>, %arg7: memref<848xf32, #tpu.memory_space<vmem>>, %arg8: memref<848xf32, #tpu.memory_space<vmem>>, %arg9: memref<17280xf32, #tpu.memory_space<vmem>>) attributes {dimension_semantics = [#tpu.dimension_semantics<core_parallel>, #tpu.dimension_semantics<subcore_parallel>], iteration_bounds = array<i64: 2, 16>, scalar_prefetch = 0 : i64, scratch_operands = 4 : i64, tpu.core_type = #tpu.core_type<sc_vector_subcore>, window_params = [{transform_indices = #map}, {transform_indices = #map}, {transform_indices = #map}, {transform_indices = #map}]} {
    %mul3A = arith.constant 2 : i32
    %mul3A_0 = arith.muli %arg1, %mul3A : i32
    %add3A = arith.addi %mul3A_0, %arg0 : i32
    %shift_right_arithmetic3A = arith.constant 4 : i32
    %shift_right_arithmetic3A_1 = arith.shrsi %add3A, %shift_right_arithmetic3A : i32
    %and3A = arith.constant 15 : i32
    %and3A_2 = arith.andi %add3A, %and3A : i32
    %mul3A_3 = arith.constant 640 : i32
    %mul3A_4 = arith.muli %and3A_2, %mul3A_3 : i32
    %mul3A_5 = arith.constant 10448 : i32
    %mul3A_6 = arith.muli %shift_right_arithmetic3A_1, %mul3A_5 : i32
    %add3A_7 = arith.addi %mul3A_6, %mul3A_4 : i32
    "tpu.region"() ({
      %run_scoped3A = tpu.sem_alloc : memref<!tpu.dma_semaphore, #tpu.memory_space<semaphore_mem>>
      %dma_start3A = tpu.memref_slice %arg2[%add3A_7] : memref<20896xf32, #tpu.memory_space<hbm>> -> memref<848xf32, #tpu.memory_space<hbm>>
      %dma_start3A_21 = tpu.memref_slice %arg2[%add3A_7] : memref<20896xf32, #tpu.memory_space<hbm>> -> memref<848xf32, #tpu.memory_space<hbm>>
      tpu.enqueue_dma source(%dma_start3A_21 : memref<848xf32, #tpu.memory_space<hbm>>) target(%arg6 : memref<848xf32, #tpu.memory_space<vmem>>) target_semaphore(%run_scoped3A : memref<!tpu.dma_semaphore, #tpu.memory_space<semaphore_mem>>)
      %dma_wait3A = tpu.memref_slice %arg2[%add3A_7] : memref<20896xf32, #tpu.memory_space<hbm>> -> memref<848xf32, #tpu.memory_space<hbm>>
      %dma_wait3A_22 = tpu.memref_slice %arg2[%add3A_7] : memref<20896xf32, #tpu.memory_space<hbm>> -> memref<848xf32, #tpu.memory_space<hbm>>
      tpu.wait_dma2 semaphore(%run_scoped3A : memref<!tpu.dma_semaphore, #tpu.memory_space<semaphore_mem>>) src(%dma_wait3A_22 : memref<848xf32, #tpu.memory_space<hbm>>) dst(%arg6 : memref<848xf32, #tpu.memory_space<vmem>>)
      tpu.yield
    }) : () -> ()
    %mul3A_8 = arith.constant 10448 : i32
    %mul3A_9 = arith.muli %shift_right_arithmetic3A_1, %mul3A_8 : i32
    %add3A_10 = arith.addi %mul3A_9, %mul3A_4 : i32
    "tpu.region"() ({
      %run_scoped3A = tpu.sem_alloc : memref<!tpu.dma_semaphore, #tpu.memory_space<semaphore_mem>>
      %dma_start3A = tpu.memref_slice %arg3[%add3A_10] : memref<20896xf32, #tpu.memory_space<hbm>> -> memref<848xf32, #tpu.memory_space<hbm>>
      %dma_start3A_21 = tpu.memref_slice %arg3[%add3A_10] : memref<20896xf32, #tpu.memory_space<hbm>> -> memref<848xf32, #tpu.memory_space<hbm>>
      tpu.enqueue_dma source(%dma_start3A_21 : memref<848xf32, #tpu.memory_space<hbm>>) target(%arg7 : memref<848xf32, #tpu.memory_space<vmem>>) target_semaphore(%run_scoped3A : memref<!tpu.dma_semaphore, #tpu.memory_space<semaphore_mem>>)
      %dma_wait3A = tpu.memref_slice %arg3[%add3A_10] : memref<20896xf32, #tpu.memory_space<hbm>> -> memref<848xf32, #tpu.memory_space<hbm>>
      %dma_wait3A_22 = tpu.memref_slice %arg3[%add3A_10] : memref<20896xf32, #tpu.memory_space<hbm>> -> memref<848xf32, #tpu.memory_space<hbm>>
      tpu.wait_dma2 semaphore(%run_scoped3A : memref<!tpu.dma_semaphore, #tpu.memory_space<semaphore_mem>>) src(%dma_wait3A_22 : memref<848xf32, #tpu.memory_space<hbm>>) dst(%arg7 : memref<848xf32, #tpu.memory_space<vmem>>)
      tpu.yield
    }) : () -> ()
    %mul3A_11 = arith.constant 10448 : i32
    %mul3A_12 = arith.muli %shift_right_arithmetic3A_1, %mul3A_11 : i32
    %add3A_13 = arith.addi %mul3A_12, %mul3A_4 : i32
    "tpu.region"() ({
      %run_scoped3A = tpu.sem_alloc : memref<!tpu.dma_semaphore, #tpu.memory_space<semaphore_mem>>
      %dma_start3A = tpu.memref_slice %arg4[%add3A_13] : memref<20896xf32, #tpu.memory_space<hbm>> -> memref<848xf32, #tpu.memory_space<hbm>>
      %dma_start3A_21 = tpu.memref_slice %arg4[%add3A_13] : memref<20896xf32, #tpu.memory_space<hbm>> -> memref<848xf32, #tpu.memory_space<hbm>>
      tpu.enqueue_dma source(%dma_start3A_21 : memref<848xf32, #tpu.memory_space<hbm>>) target(%arg8 : memref<848xf32, #tpu.memory_space<vmem>>) target_semaphore(%run_scoped3A : memref<!tpu.dma_semaphore, #tpu.memory_space<semaphore_mem>>)
      %dma_wait3A = tpu.memref_slice %arg4[%add3A_13] : memref<20896xf32, #tpu.memory_space<hbm>> -> memref<848xf32, #tpu.memory_space<hbm>>
      %dma_wait3A_22 = tpu.memref_slice %arg4[%add3A_13] : memref<20896xf32, #tpu.memory_space<hbm>> -> memref<848xf32, #tpu.memory_space<hbm>>
      tpu.wait_dma2 semaphore(%run_scoped3A : memref<!tpu.dma_semaphore, #tpu.memory_space<semaphore_mem>>) src(%dma_wait3A_22 : memref<848xf32, #tpu.memory_space<hbm>>) dst(%arg8 : memref<848xf32, #tpu.memory_space<vmem>>)
      tpu.yield
    }) : () -> ()
    %scan3A = arith.constant 0 : i32
    %scan3A_14 = arith.constant 0 : i32
    %scan3A_15 = arith.constant 40 : i32
    %scan3A_16 = arith.addi %scan3A_14, %scan3A_15 : i32
    %scan3A_17 = arith.constant 1 : i32
    scf.for %scan3A_21 = %scan3A_14 to %scan3A_16 step %scan3A_17  : i32 {
      %mul3A_22 = arith.constant 16 : i32
      %mul3A_23 = arith.muli %scan3A_21, %mul3A_22 : i32
      %add3A_24 = arith.addi %mul3A_4, %mul3A_23 : i32
      %iota3A = tpu.iota {dimensions = array<i32: 0>} : vector<16xi32>
      %add3A_25 = vector.broadcast %add3A_24 : i32 to vector<16xi32>
      %add3A_26 = arith.addi %add3A_25, %iota3A : vector<16xi32>
      %mul3A_27 = arith.constant 10486 : i32
      %mul3A_28 = vector.broadcast %mul3A_27 : i32 to vector<16xi32>
      %mul3A_29 = arith.muli %add3A_26, %mul3A_28 : vector<16xi32>
      %shift_right_arithmetic3A_30 = arith.constant 20 : i32
      %shift_right_arithmetic3A_31 = vector.broadcast %shift_right_arithmetic3A_30 : i32 to vector<16xi32>
      %shift_right_arithmetic3A_32 = arith.shrsi %mul3A_29, %shift_right_arithmetic3A_31 : vector<16xi32>
      %mul3A_33 = arith.constant 100 : i32
      %mul3A_34 = vector.broadcast %mul3A_33 : i32 to vector<16xi32>
      %mul3A_35 = arith.muli %shift_right_arithmetic3A_32, %mul3A_34 : vector<16xi32>
      %sub3A = arith.subi %add3A_26, %mul3A_35 : vector<16xi32>
      %mul3A_36 = arith.constant 16 : i32
      %mul3A_37 = arith.muli %scan3A_21, %mul3A_36 : i32
      %add3A_38 = arith.constant 104 : i32
      %add3A_39 = arith.addi %add3A_38, %mul3A_37 : i32
      %get3A = arith.index_cast %add3A_39 : i32 to index
      %get3A_40 = tpu.vector_load %arg6[%get3A] {strides = array<i32>} : memref<848xf32, #tpu.memory_space<vmem>>, vector<16xf32>,
      %get3A_41 = vector.shape_cast %get3A_40 : vector<16xf32> to vector<16xf32>
      %mul3A_42 = arith.constant 16 : i32
      %mul3A_43 = arith.muli %scan3A_21, %mul3A_42 : i32
      %add3A_44 = arith.constant 104 : i32
      %add3A_45 = arith.addi %add3A_44, %mul3A_43 : i32
      %get3A_46 = arith.index_cast %add3A_45 : i32 to index
      %get3A_47 = tpu.vector_load %arg7[%get3A_46] {strides = array<i32>} : memref<848xf32, #tpu.memory_space<vmem>>, vector<16xf32>,
      %get3A_48 = vector.shape_cast %get3A_47 : vector<16xf32> to vector<16xf32>
      %mul3A_49 = arith.constant 16 : i32
      %mul3A_50 = arith.muli %scan3A_21, %mul3A_49 : i32
      %add3A_51 = arith.constant 104 : i32
      %add3A_52 = arith.addi %add3A_51, %mul3A_50 : i32
      %get3A_53 = arith.index_cast %add3A_52 : i32 to index
      %get3A_54 = tpu.vector_load %arg8[%get3A_53] {strides = array<i32>} : memref<848xf32, #tpu.memory_space<vmem>>, vector<16xf32>,
      %get3A_55 = vector.shape_cast %get3A_54 : vector<16xf32> to vector<16xf32>
      %broadcast_in_dim3A = arith.constant 0.000000e+00 : f32
      %broadcast_in_dim3A_56 = vector.broadcast %broadcast_in_dim3A : f32 to vector<16xf32>
      %broadcast_in_dim3A_57 = arith.constant 0.000000e+00 : f32
      %broadcast_in_dim3A_58 = vector.broadcast %broadcast_in_dim3A_57 : f32 to vector<16xf32>
      %broadcast_in_dim3A_59 = arith.constant 0.000000e+00 : f32
      %broadcast_in_dim3A_60 = vector.broadcast %broadcast_in_dim3A_59 : f32 to vector<16xf32>
      %broadcast_in_dim3A_61 = arith.constant 0.000000e+00 : f32
      %broadcast_in_dim3A_62 = vector.broadcast %broadcast_in_dim3A_61 : f32 to vector<16xf32>
      %broadcast_in_dim3A_63 = arith.constant 0.000000e+00 : f32
      %broadcast_in_dim3A_64 = vector.broadcast %broadcast_in_dim3A_63 : f32 to vector<16xf32>
      %broadcast_in_dim3A_65 = arith.constant 0.000000e+00 : f32
      %broadcast_in_dim3A_66 = vector.broadcast %broadcast_in_dim3A_65 : f32 to vector<16xf32>
      %broadcast_in_dim3A_67 = arith.constant 0.000000e+00 : f32
      %broadcast_in_dim3A_68 = vector.broadcast %broadcast_in_dim3A_67 : f32 to vector<16xf32>
      %broadcast_in_dim3A_69 = arith.constant 0.000000e+00 : f32
      %broadcast_in_dim3A_70 = vector.broadcast %broadcast_in_dim3A_69 : f32 to vector<16xf32>
      %broadcast_in_dim3A_71 = arith.constant 0.000000e+00 : f32
      %broadcast_in_dim3A_72 = vector.broadcast %broadcast_in_dim3A_71 : f32 to vector<16xf32>
      %le3A = arith.constant 98 : i32
      %le3A_73 = vector.broadcast %le3A : i32 to vector<16xi32>
      %le3A_74 = arith.cmpi sle, %sub3A, %le3A_73 : vector<16xi32>
      %jit3A = arith.constant 1.000000e+00 : f32
      %jit3A_75 = arith.constant 0.000000e+00 : f32
      %broadcast_in_dim3A_76 = vector.broadcast %jit3A : f32 to vector<16xf32>
      %broadcast_in_dim3A_77 = vector.broadcast %jit3A_75 : f32 to vector<16xf32>
      %select_n3A = arith.select %le3A_74, %broadcast_in_dim3A_76, %broadcast_in_dim3A_77 : vector<16xi1>, vector<16xf32>
      %mul3A_78 = arith.constant 16 : i32
      %mul3A_79 = arith.muli %scan3A_21, %mul3A_78 : i32
      %add3A_80 = arith.constant 104 : i32
      %add3A_81 = arith.addi %add3A_80, %mul3A_79 : i32
      %add3A_82 = arith.constant 1 : i32
      %add3A_83 = arith.addi %add3A_81, %add3A_82 : i32
      %get3A_84 = arith.index_cast %add3A_83 : i32 to index
      %get3A_85 = tpu.vector_load %arg6[%get3A_84] {strides = array<i32>} : memref<848xf32, #tpu.memory_space<vmem>>, vector<16xf32>,
      %get3A_86 = vector.shape_cast %get3A_85 : vector<16xf32> to vector<16xf32>
      %sub3A_87 = arith.subf %get3A_41, %get3A_86 : vector<16xf32>
      %mul3A_88 = arith.mulf %select_n3A, %sub3A_87 : vector<16xf32>
      %mul3A_89 = arith.constant 16 : i32
      %mul3A_90 = arith.muli %scan3A_21, %mul3A_89 : i32
      %add3A_91 = arith.constant 104 : i32
      %add3A_92 = arith.addi %add3A_91, %mul3A_90 : i32
      %add3A_93 = arith.constant 1 : i32
      %add3A_94 = arith.addi %add3A_92, %add3A_93 : i32
      %get3A_95 = arith.index_cast %add3A_94 : i32 to index
      %get3A_96 = tpu.vector_load %arg7[%get3A_95] {strides = array<i32>} : memref<848xf32, #tpu.memory_space<vmem>>, vector<16xf32>,
      %get3A_97 = vector.shape_cast %get3A_96 : vector<16xf32> to vector<16xf32>
      %sub3A_98 = arith.subf %get3A_48, %get3A_97 : vector<16xf32>
      %mul3A_99 = arith.mulf %select_n3A, %sub3A_98 : vector<16xf32>
      %mul3A_100 = arith.constant 16 : i32
      %mul3A_101 = arith.muli %scan3A_21, %mul3A_100 : i32
      %add3A_102 = arith.constant 104 : i32
      %add3A_103 = arith.addi %add3A_102, %mul3A_101 : i32
      %add3A_104 = arith.constant 1 : i32
      %add3A_105 = arith.addi %add3A_103, %add3A_104 : i32
      %get3A_106 = arith.index_cast %add3A_105 : i32 to index
      %get3A_107 = tpu.vector_load %arg8[%get3A_106] {strides = array<i32>} : memref<848xf32, #tpu.memory_space<vmem>>, vector<16xf32>,
      %get3A_108 = vector.shape_cast %get3A_107 : vector<16xf32> to vector<16xf32>
      %sub3A_109 = arith.subf %get3A_55, %get3A_108 : vector<16xf32>
      %mul3A_110 = arith.mulf %select_n3A, %sub3A_109 : vector<16xf32>
      %add3A_111 = arith.addf %broadcast_in_dim3A_56, %mul3A_88 : vector<16xf32>
      %add3A_112 = arith.addf %broadcast_in_dim3A_58, %mul3A_99 : vector<16xf32>
      %add3A_113 = arith.addf %broadcast_in_dim3A_60, %mul3A_110 : vector<16xf32>
      %mul3A_114 = arith.mulf %mul3A_99, %mul3A_99 : vector<16xf32>
      %add3A_115 = arith.addf %broadcast_in_dim3A_62, %mul3A_114 : vector<16xf32>
      %mul3A_116 = arith.mulf %mul3A_110, %mul3A_110 : vector<16xf32>
      %add3A_117 = arith.addf %add3A_115, %mul3A_116 : vector<16xf32>
      %mul3A_118 = arith.mulf %mul3A_88, %mul3A_99 : vector<16xf32>
      %sub3A_119 = arith.subf %broadcast_in_dim3A_64, %mul3A_118 : vector<16xf32>
      %mul3A_120 = arith.mulf %mul3A_88, %mul3A_110 : vector<16xf32>
      %sub3A_121 = arith.subf %broadcast_in_dim3A_66, %mul3A_120 : vector<16xf32>
      %mul3A_122 = arith.mulf %mul3A_88, %mul3A_88 : vector<16xf32>
      %add3A_123 = arith.addf %broadcast_in_dim3A_68, %mul3A_122 : vector<16xf32>
      %mul3A_124 = arith.mulf %mul3A_110, %mul3A_110 : vector<16xf32>
      %add3A_125 = arith.addf %add3A_123, %mul3A_124 : vector<16xf32>
      %mul3A_126 = arith.mulf %mul3A_99, %mul3A_110 : vector<16xf32>
      %sub3A_127 = arith.subf %broadcast_in_dim3A_70, %mul3A_126 : vector<16xf32>
      %mul3A_128 = arith.mulf %mul3A_88, %mul3A_88 : vector<16xf32>
      %add3A_129 = arith.addf %broadcast_in_dim3A_72, %mul3A_128 : vector<16xf32>
      %mul3A_130 = arith.mulf %mul3A_99, %mul3A_99 : vector<16xf32>
      %add3A_131 = arith.addf %add3A_129, %mul3A_130 : vector<16xf32>
      %ge3A = arith.constant 1 : i32
      %ge3A_132 = vector.broadcast %ge3A : i32 to vector<16xi32>
      %ge3A_133 = arith.cmpi sge, %sub3A, %ge3A_132 : vector<16xi32>
      %jit3A_134 = arith.constant 1.000000e+00 : f32
      %jit3A_135 = arith.constant 0.000000e+00 : f32
      %broadcast_in_dim3A_136 = vector.broadcast %jit3A_134 : f32 to vector<16xf32>
      %broadcast_in_dim3A_137 = vector.broadcast %jit3A_135 : f32 to vector<16xf32>
      %select_n3A_138 = arith.select %ge3A_133, %broadcast_in_dim3A_136, %broadcast_in_dim3A_137 : vector<16xi1>, vector<16xf32>
      %mul3A_139 = arith.constant 16 : i32
      %mul3A_140 = arith.muli %scan3A_21, %mul3A_139 : i32
      %add3A_141 = arith.constant 104 : i32
      %add3A_142 = arith.addi %add3A_141, %mul3A_140 : i32
      %add3A_143 = arith.constant -1 : i32
      %add3A_144 = arith.addi %add3A_142, %add3A_143 : i32
      %get3A_145 = arith.index_cast %add3A_144 : i32 to index
      %get3A_146 = tpu.vector_load %arg6[%get3A_145] {strides = array<i32>} : memref<848xf32, #tpu.memory_space<vmem>>, vector<16xf32>,
      %get3A_147 = vector.shape_cast %get3A_146 : vector<16xf32> to vector<16xf32>
      %sub3A_148 = arith.subf %get3A_41, %get3A_147 : vector<16xf32>
      %mul3A_149 = arith.mulf %select_n3A_138, %sub3A_148 : vector<16xf32>
      %mul3A_150 = arith.constant 16 : i32
      %mul3A_151 = arith.muli %scan3A_21, %mul3A_150 : i32
      %add3A_152 = arith.constant 104 : i32
      %add3A_153 = arith.addi %add3A_152, %mul3A_151 : i32
      %add3A_154 = arith.constant -1 : i32
      %add3A_155 = arith.addi %add3A_153, %add3A_154 : i32
      %get3A_156 = arith.index_cast %add3A_155 : i32 to index
      %get3A_157 = tpu.vector_load %arg7[%get3A_156] {strides = array<i32>} : memref<848xf32, #tpu.memory_space<vmem>>, vector<16xf32>,
      %get3A_158 = vector.shape_cast %get3A_157 : vector<16xf32> to vector<16xf32>
      %sub3A_159 = arith.subf %get3A_48, %get3A_158 : vector<16xf32>
      %mul3A_160 = arith.mulf %select_n3A_138, %sub3A_159 : vector<16xf32>
      %mul3A_161 = arith.constant 16 : i32
      %mul3A_162 = arith.muli %scan3A_21, %mul3A_161 : i32
      %add3A_163 = arith.constant 104 : i32
      %add3A_164 = arith.addi %add3A_163, %mul3A_162 : i32
      %add3A_165 = arith.constant -1 : i32
      %add3A_166 = arith.addi %add3A_164, %add3A_165 : i32
      %get3A_167 = arith.index_cast %add3A_166 : i32 to index
      %get3A_168 = tpu.vector_load %arg8[%get3A_167] {strides = array<i32>} : memref<848xf32, #tpu.memory_space<vmem>>, vector<16xf32>,
      %get3A_169 = vector.shape_cast %get3A_168 : vector<16xf32> to vector<16xf32>
      %sub3A_170 = arith.subf %get3A_55, %get3A_169 : vector<16xf32>
      %mul3A_171 = arith.mulf %select_n3A_138, %sub3A_170 : vector<16xf32>
      %add3A_172 = arith.addf %add3A_111, %mul3A_149 : vector<16xf32>
      %add3A_173 = arith.addf %add3A_112, %mul3A_160 : vector<16xf32>
      %add3A_174 = arith.addf %add3A_113, %mul3A_171 : vector<16xf32>
      %mul3A_175 = arith.mulf %mul3A_160, %mul3A_160 : vector<16xf32>
      %add3A_176 = arith.addf %add3A_117, %mul3A_175 : vector<16xf32>
      %mul3A_177 = arith.mulf %mul3A_171, %mul3A_171 : vector<16xf32>
      %add3A_178 = arith.addf %add3A_176, %mul3A_177 : vector<16xf32>
      %mul3A_179 = arith.mulf %mul3A_149, %mul3A_160 : vector<16xf32>
      %sub3A_180 = arith.subf %sub3A_119, %mul3A_179 : vector<16xf32>
      %mul3A_181 = arith.mulf %mul3A_149, %mul3A_171 : vector<16xf32>
      %sub3A_182 = arith.subf %sub3A_121, %mul3A_181 : vector<16xf32>
      %mul3A_183 = arith.mulf %mul3A_149, %mul3A_149 : vector<16xf32>
      %add3A_184 = arith.addf %add3A_125, %mul3A_183 : vector<16xf32>
      %mul3A_185 = arith.mulf %mul3A_171, %mul3A_171 : vector<16xf32>
      %add3A_186 = arith.addf %add3A_184, %mul3A_185 : vector<16xf32>
      %mul3A_187 = arith.mulf %mul3A_160, %mul3A_171 : vector<16xf32>
      %sub3A_188 = arith.subf %sub3A_127, %mul3A_187 : vector<16xf32>
      %mul3A_189 = arith.mulf %mul3A_149, %mul3A_149 : vector<16xf32>
      %add3A_190 = arith.addf %add3A_131, %mul3A_189 : vector<16xf32>
      %mul3A_191 = arith.mulf %mul3A_160, %mul3A_160 : vector<16xf32>
      %add3A_192 = arith.addf %add3A_190, %mul3A_191 : vector<16xf32>
      %le3A_193 = arith.constant 98 : i32
      %le3A_194 = vector.broadcast %le3A_193 : i32 to vector<16xi32>
      %le3A_195 = arith.cmpi sle, %shift_right_arithmetic3A_32, %le3A_194 : vector<16xi32>
      %jit3A_196 = arith.constant 1.000000e+00 : f32
      %jit3A_197 = arith.constant 0.000000e+00 : f32
      %broadcast_in_dim3A_198 = vector.broadcast %jit3A_196 : f32 to vector<16xf32>
      %broadcast_in_dim3A_199 = vector.broadcast %jit3A_197 : f32 to vector<16xf32>
      %select_n3A_200 = arith.select %le3A_195, %broadcast_in_dim3A_198, %broadcast_in_dim3A_199 : vector<16xi1>, vector<16xf32>
      %mul3A_201 = arith.constant 16 : i32
      %mul3A_202 = arith.muli %scan3A_21, %mul3A_201 : i32
      %add3A_203 = arith.constant 104 : i32
      %add3A_204 = arith.addi %add3A_203, %mul3A_202 : i32
      %add3A_205 = arith.constant 100 : i32
      %add3A_206 = arith.addi %add3A_204, %add3A_205 : i32
      %get3A_207 = arith.index_cast %add3A_206 : i32 to index
      %get3A_208 = tpu.vector_load %arg6[%get3A_207] {strides = array<i32>} : memref<848xf32, #tpu.memory_space<vmem>>, vector<16xf32>,
      %get3A_209 = vector.shape_cast %get3A_208 : vector<16xf32> to vector<16xf32>
      %sub3A_210 = arith.subf %get3A_41, %get3A_209 : vector<16xf32>
      %mul3A_211 = arith.mulf %select_n3A_200, %sub3A_210 : vector<16xf32>
      %mul3A_212 = arith.constant 16 : i32
      %mul3A_213 = arith.muli %scan3A_21, %mul3A_212 : i32
      %add3A_214 = arith.constant 104 : i32
      %add3A_215 = arith.addi %add3A_214, %mul3A_213 : i32
      %add3A_216 = arith.constant 100 : i32
      %add3A_217 = arith.addi %add3A_215, %add3A_216 : i32
      %get3A_218 = arith.index_cast %add3A_217 : i32 to index
      %get3A_219 = tpu.vector_load %arg7[%get3A_218] {strides = array<i32>} : memref<848xf32, #tpu.memory_space<vmem>>, vector<16xf32>,
      %get3A_220 = vector.shape_cast %get3A_219 : vector<16xf32> to vector<16xf32>
      %sub3A_221 = arith.subf %get3A_48, %get3A_220 : vector<16xf32>
      %mul3A_222 = arith.mulf %select_n3A_200, %sub3A_221 : vector<16xf32>
      %mul3A_223 = arith.constant 16 : i32
      %mul3A_224 = arith.muli %scan3A_21, %mul3A_223 : i32
      %add3A_225 = arith.constant 104 : i32
      %add3A_226 = arith.addi %add3A_225, %mul3A_224 : i32
      %add3A_227 = arith.constant 100 : i32
      %add3A_228 = arith.addi %add3A_226, %add3A_227 : i32
      %get3A_229 = arith.index_cast %add3A_228 : i32 to index
      %get3A_230 = tpu.vector_load %arg8[%get3A_229] {strides = array<i32>} : memref<848xf32, #tpu.memory_space<vmem>>, vector<16xf32>,
      %get3A_231 = vector.shape_cast %get3A_230 : vector<16xf32> to vector<16xf32>
      %sub3A_232 = arith.subf %get3A_55, %get3A_231 : vector<16xf32>
      %mul3A_233 = arith.mulf %select_n3A_200, %sub3A_232 : vector<16xf32>
      %add3A_234 = arith.addf %add3A_172, %mul3A_211 : vector<16xf32>
      %add3A_235 = arith.addf %add3A_173, %mul3A_222 : vector<16xf32>
      %add3A_236 = arith.addf %add3A_174, %mul3A_233 : vector<16xf32>
      %mul3A_237 = arith.mulf %mul3A_222, %mul3A_222 : vector<16xf32>
      %add3A_238 = arith.addf %add3A_178, %mul3A_237 : vector<16xf32>
      %mul3A_239 = arith.mulf %mul3A_233, %mul3A_233 : vector<16xf32>
      %add3A_240 = arith.addf %add3A_238, %mul3A_239 : vector<16xf32>
      %mul3A_241 = arith.mulf %mul3A_211, %mul3A_222 : vector<16xf32>
      %sub3A_242 = arith.subf %sub3A_180, %mul3A_241 : vector<16xf32>
      %mul3A_243 = arith.mulf %mul3A_211, %mul3A_233 : vector<16xf32>
      %sub3A_244 = arith.subf %sub3A_182, %mul3A_243 : vector<16xf32>
      %mul3A_245 = arith.mulf %mul3A_211, %mul3A_211 : vector<16xf32>
      %add3A_246 = arith.addf %add3A_186, %mul3A_245 : vector<16xf32>
      %mul3A_247 = arith.mulf %mul3A_233, %mul3A_233 : vector<16xf32>
      %add3A_248 = arith.addf %add3A_246, %mul3A_247 : vector<16xf32>
      %mul3A_249 = arith.mulf %mul3A_222, %mul3A_233 : vector<16xf32>
      %sub3A_250 = arith.subf %sub3A_188, %mul3A_249 : vector<16xf32>
      %mul3A_251 = arith.mulf %mul3A_211, %mul3A_211 : vector<16xf32>
      %add3A_252 = arith.addf %add3A_192, %mul3A_251 : vector<16xf32>
      %mul3A_253 = arith.mulf %mul3A_222, %mul3A_222 : vector<16xf32>
      %add3A_254 = arith.addf %add3A_252, %mul3A_253 : vector<16xf32>
      %ge3A_255 = arith.constant 1 : i32
      %ge3A_256 = vector.broadcast %ge3A_255 : i32 to vector<16xi32>
      %ge3A_257 = arith.cmpi sge, %shift_right_arithmetic3A_32, %ge3A_256 : vector<16xi32>
      %jit3A_258 = arith.constant 1.000000e+00 : f32
      %jit3A_259 = arith.constant 0.000000e+00 : f32
      %broadcast_in_dim3A_260 = vector.broadcast %jit3A_258 : f32 to vector<16xf32>
      %broadcast_in_dim3A_261 = vector.broadcast %jit3A_259 : f32 to vector<16xf32>
      %select_n3A_262 = arith.select %ge3A_257, %broadcast_in_dim3A_260, %broadcast_in_dim3A_261 : vector<16xi1>, vector<16xf32>
      %mul3A_263 = arith.constant 16 : i32
      %mul3A_264 = arith.muli %scan3A_21, %mul3A_263 : i32
      %add3A_265 = arith.constant 104 : i32
      %add3A_266 = arith.addi %add3A_265, %mul3A_264 : i32
      %add3A_267 = arith.constant -100 : i32
      %add3A_268 = arith.addi %add3A_266, %add3A_267 : i32
      %get3A_269 = arith.index_cast %add3A_268 : i32 to index
      %get3A_270 = tpu.vector_load %arg6[%get3A_269] {strides = array<i32>} : memref<848xf32, #tpu.memory_space<vmem>>, vector<16xf32>,
      %get3A_271 = vector.shape_cast %get3A_270 : vector<16xf32> to vector<16xf32>
      %sub3A_272 = arith.subf %get3A_41, %get3A_271 : vector<16xf32>
      %mul3A_273 = arith.mulf %select_n3A_262, %sub3A_272 : vector<16xf32>
      %mul3A_274 = arith.constant 16 : i32
      %mul3A_275 = arith.muli %scan3A_21, %mul3A_274 : i32
      %add3A_276 = arith.constant 104 : i32
      %add3A_277 = arith.addi %add3A_276, %mul3A_275 : i32
      %add3A_278 = arith.constant -100 : i32
      %add3A_279 = arith.addi %add3A_277, %add3A_278 : i32
      %get3A_280 = arith.index_cast %add3A_279 : i32 to index
      %get3A_281 = tpu.vector_load %arg7[%get3A_280] {strides = array<i32>} : memref<848xf32, #tpu.memory_space<vmem>>, vector<16xf32>,
      %get3A_282 = vector.shape_cast %get3A_281 : vector<16xf32> to vector<16xf32>
      %sub3A_283 = arith.subf %get3A_48, %get3A_282 : vector<16xf32>
      %mul3A_284 = arith.mulf %select_n3A_262, %sub3A_283 : vector<16xf32>
      %mul3A_285 = arith.constant 16 : i32
      %mul3A_286 = arith.muli %scan3A_21, %mul3A_285 : i32
      %add3A_287 = arith.constant 104 : i32
      %add3A_288 = arith.addi %add3A_287, %mul3A_286 : i32
      %add3A_289 = arith.constant -100 : i32
      %add3A_290 = arith.addi %add3A_288, %add3A_289 : i32
      %get3A_291 = arith.index_cast %add3A_290 : i32 to index
      %get3A_292 = tpu.vector_load %arg8[%get3A_291] {strides = array<i32>} : memref<848xf32, #tpu.memory_space<vmem>>, vector<16xf32>,
      %get3A_293 = vector.shape_cast %get3A_292 : vector<16xf32> to vector<16xf32>
      %sub3A_294 = arith.subf %get3A_55, %get3A_293 : vector<16xf32>
      %mul3A_295 = arith.mulf %select_n3A_262, %sub3A_294 : vector<16xf32>
      %add3A_296 = arith.addf %add3A_234, %mul3A_273 : vector<16xf32>
      %add3A_297 = arith.addf %add3A_235, %mul3A_284 : vector<16xf32>
      %add3A_298 = arith.addf %add3A_236, %mul3A_295 : vector<16xf32>
      %mul3A_299 = arith.mulf %mul3A_284, %mul3A_284 : vector<16xf32>
      %add3A_300 = arith.addf %add3A_240, %mul3A_299 : vector<16xf32>
      %mul3A_301 = arith.mulf %mul3A_295, %mul3A_295 : vector<16xf32>
      %add3A_302 = arith.addf %add3A_300, %mul3A_301 : vector<16xf32>
      %mul3A_303 = arith.mulf %mul3A_273, %mul3A_284 : vector<16xf32>
      %sub3A_304 = arith.subf %sub3A_242, %mul3A_303 : vector<16xf32>
      %mul3A_305 = arith.mulf %mul3A_273, %mul3A_295 : vector<16xf32>
      %sub3A_306 = arith.subf %sub3A_244, %mul3A_305 : vector<16xf32>
      %mul3A_307 = arith.mulf %mul3A_273, %mul3A_273 : vector<16xf32>
      %add3A_308 = arith.addf %add3A_248, %mul3A_307 : vector<16xf32>
      %mul3A_309 = arith.mulf %mul3A_295, %mul3A_295 : vector<16xf32>
      %add3A_310 = arith.addf %add3A_308, %mul3A_309 : vector<16xf32>
      %mul3A_311 = arith.mulf %mul3A_284, %mul3A_295 : vector<16xf32>
      %sub3A_312 = arith.subf %sub3A_250, %mul3A_311 : vector<16xf32>
      %mul3A_313 = arith.mulf %mul3A_273, %mul3A_273 : vector<16xf32>
      %add3A_314 = arith.addf %add3A_254, %mul3A_313 : vector<16xf32>
      %mul3A_315 = arith.mulf %mul3A_284, %mul3A_284 : vector<16xf32>
      %add3A_316 = arith.addf %add3A_314, %mul3A_315 : vector<16xf32>
      %le3A_317 = arith.constant 98 : i32
      %le3A_318 = vector.broadcast %le3A_317 : i32 to vector<16xi32>
      %le3A_319 = arith.cmpi sle, %shift_right_arithmetic3A_32, %le3A_318 : vector<16xi32>
      %ge3A_320 = arith.constant 1 : i32
      %ge3A_321 = vector.broadcast %ge3A_320 : i32 to vector<16xi32>
      %ge3A_322 = arith.cmpi sge, %sub3A, %ge3A_321 : vector<16xi32>
      %and3A_323 = arith.andi %le3A_319, %ge3A_322 : vector<16xi1>
      %jit3A_324 = arith.constant 1.000000e+00 : f32
      %jit3A_325 = arith.constant 0.000000e+00 : f32
      %broadcast_in_dim3A_326 = vector.broadcast %jit3A_324 : f32 to vector<16xf32>
      %broadcast_in_dim3A_327 = vector.broadcast %jit3A_325 : f32 to vector<16xf32>
      %select_n3A_328 = arith.select %and3A_323, %broadcast_in_dim3A_326, %broadcast_in_dim3A_327 : vector<16xi1>, vector<16xf32>
      %mul3A_329 = arith.constant 16 : i32
      %mul3A_330 = arith.muli %scan3A_21, %mul3A_329 : i32
      %add3A_331 = arith.constant 104 : i32
      %add3A_332 = arith.addi %add3A_331, %mul3A_330 : i32
      %add3A_333 = arith.constant 99 : i32
      %add3A_334 = arith.addi %add3A_332, %add3A_333 : i32
      %get3A_335 = arith.index_cast %add3A_334 : i32 to index
      %get3A_336 = tpu.vector_load %arg6[%get3A_335] {strides = array<i32>} : memref<848xf32, #tpu.memory_space<vmem>>, vector<16xf32>,
      %get3A_337 = vector.shape_cast %get3A_336 : vector<16xf32> to vector<16xf32>
      %sub3A_338 = arith.subf %get3A_41, %get3A_337 : vector<16xf32>
      %mul3A_339 = arith.mulf %select_n3A_328, %sub3A_338 : vector<16xf32>
      %mul3A_340 = arith.constant 16 : i32
      %mul3A_341 = arith.muli %scan3A_21, %mul3A_340 : i32
      %add3A_342 = arith.constant 104 : i32
      %add3A_343 = arith.addi %add3A_342, %mul3A_341 : i32
      %add3A_344 = arith.constant 99 : i32
      %add3A_345 = arith.addi %add3A_343, %add3A_344 : i32
      %get3A_346 = arith.index_cast %add3A_345 : i32 to index
      %get3A_347 = tpu.vector_load %arg7[%get3A_346] {strides = array<i32>} : memref<848xf32, #tpu.memory_space<vmem>>, vector<16xf32>,
      %get3A_348 = vector.shape_cast %get3A_347 : vector<16xf32> to vector<16xf32>
      %sub3A_349 = arith.subf %get3A_48, %get3A_348 : vector<16xf32>
      %mul3A_350 = arith.mulf %select_n3A_328, %sub3A_349 : vector<16xf32>
      %mul3A_351 = arith.constant 16 : i32
      %mul3A_352 = arith.muli %scan3A_21, %mul3A_351 : i32
      %add3A_353 = arith.constant 104 : i32
      %add3A_354 = arith.addi %add3A_353, %mul3A_352 : i32
      %add3A_355 = arith.constant 99 : i32
      %add3A_356 = arith.addi %add3A_354, %add3A_355 : i32
      %get3A_357 = arith.index_cast %add3A_356 : i32 to index
      %get3A_358 = tpu.vector_load %arg8[%get3A_357] {strides = array<i32>} : memref<848xf32, #tpu.memory_space<vmem>>, vector<16xf32>,
      %get3A_359 = vector.shape_cast %get3A_358 : vector<16xf32> to vector<16xf32>
      %sub3A_360 = arith.subf %get3A_55, %get3A_359 : vector<16xf32>
      %mul3A_361 = arith.mulf %select_n3A_328, %sub3A_360 : vector<16xf32>
      %add3A_362 = arith.addf %add3A_296, %mul3A_339 : vector<16xf32>
      %add3A_363 = arith.addf %add3A_297, %mul3A_350 : vector<16xf32>
      %add3A_364 = arith.addf %add3A_298, %mul3A_361 : vector<16xf32>
      %mul3A_365 = arith.mulf %mul3A_350, %mul3A_350 : vector<16xf32>
      %add3A_366 = arith.addf %add3A_302, %mul3A_365 : vector<16xf32>
      %mul3A_367 = arith.mulf %mul3A_361, %mul3A_361 : vector<16xf32>
      %add3A_368 = arith.addf %add3A_366, %mul3A_367 : vector<16xf32>
      %mul3A_369 = arith.mulf %mul3A_339, %mul3A_350 : vector<16xf32>
      %sub3A_370 = arith.subf %sub3A_304, %mul3A_369 : vector<16xf32>
      %mul3A_371 = arith.mulf %mul3A_339, %mul3A_361 : vector<16xf32>
      %sub3A_372 = arith.subf %sub3A_306, %mul3A_371 : vector<16xf32>
      %mul3A_373 = arith.mulf %mul3A_339, %mul3A_339 : vector<16xf32>
      %add3A_374 = arith.addf %add3A_310, %mul3A_373 : vector<16xf32>
      %mul3A_375 = arith.mulf %mul3A_361, %mul3A_361 : vector<16xf32>
      %add3A_376 = arith.addf %add3A_374, %mul3A_375 : vector<16xf32>
      %mul3A_377 = arith.mulf %mul3A_350, %mul3A_361 : vector<16xf32>
      %sub3A_378 = arith.subf %sub3A_312, %mul3A_377 : vector<16xf32>
      %mul3A_379 = arith.mulf %mul3A_339, %mul3A_339 : vector<16xf32>
      %add3A_380 = arith.addf %add3A_316, %mul3A_379 : vector<16xf32>
      %mul3A_381 = arith.mulf %mul3A_350, %mul3A_350 : vector<16xf32>
      %add3A_382 = arith.addf %add3A_380, %mul3A_381 : vector<16xf32>
      %ge3A_383 = arith.constant 1 : i32
      %ge3A_384 = vector.broadcast %ge3A_383 : i32 to vector<16xi32>
      %ge3A_385 = arith.cmpi sge, %shift_right_arithmetic3A_32, %ge3A_384 : vector<16xi32>
      %le3A_386 = arith.constant 98 : i32
      %le3A_387 = vector.broadcast %le3A_386 : i32 to vector<16xi32>
      %le3A_388 = arith.cmpi sle, %sub3A, %le3A_387 : vector<16xi32>
      %and3A_389 = arith.andi %ge3A_385, %le3A_388 : vector<16xi1>
      %jit3A_390 = arith.constant 1.000000e+00 : f32
      %jit3A_391 = arith.constant 0.000000e+00 : f32
      %broadcast_in_dim3A_392 = vector.broadcast %jit3A_390 : f32 to vector<16xf32>
      %broadcast_in_dim3A_393 = vector.broadcast %jit3A_391 : f32 to vector<16xf32>
      %select_n3A_394 = arith.select %and3A_389, %broadcast_in_dim3A_392, %broadcast_in_dim3A_393 : vector<16xi1>, vector<16xf32>
      %mul3A_395 = arith.constant 16 : i32
      %mul3A_396 = arith.muli %scan3A_21, %mul3A_395 : i32
      %add3A_397 = arith.constant 104 : i32
      %add3A_398 = arith.addi %add3A_397, %mul3A_396 : i32
      %add3A_399 = arith.constant -99 : i32
      %add3A_400 = arith.addi %add3A_398, %add3A_399 : i32
      %get3A_401 = arith.index_cast %add3A_400 : i32 to index
      %get3A_402 = tpu.vector_load %arg6[%get3A_401] {strides = array<i32>} : memref<848xf32, #tpu.memory_space<vmem>>, vector<16xf32>,
      %get3A_403 = vector.shape_cast %get3A_402 : vector<16xf32> to vector<16xf32>
      %sub3A_404 = arith.subf %get3A_41, %get3A_403 : vector<16xf32>
      %mul3A_405 = arith.mulf %select_n3A_394, %sub3A_404 : vector<16xf32>
      %mul3A_406 = arith.constant 16 : i32
      %mul3A_407 = arith.muli %scan3A_21, %mul3A_406 : i32
      %add3A_408 = arith.constant 104 : i32
      %add3A_409 = arith.addi %add3A_408, %mul3A_407 : i32
      %add3A_410 = arith.constant -99 : i32
      %add3A_411 = arith.addi %add3A_409, %add3A_410 : i32
      %get3A_412 = arith.index_cast %add3A_411 : i32 to index
      %get3A_413 = tpu.vector_load %arg7[%get3A_412] {strides = array<i32>} : memref<848xf32, #tpu.memory_space<vmem>>, vector<16xf32>,
      %get3A_414 = vector.shape_cast %get3A_413 : vector<16xf32> to vector<16xf32>
      %sub3A_415 = arith.subf %get3A_48, %get3A_414 : vector<16xf32>
      %mul3A_416 = arith.mulf %select_n3A_394, %sub3A_415 : vector<16xf32>
      %mul3A_417 = arith.constant 16 : i32
      %mul3A_418 = arith.muli %scan3A_21, %mul3A_417 : i32
      %add3A_419 = arith.constant 104 : i32
      %add3A_420 = arith.addi %add3A_419, %mul3A_418 : i32
      %add3A_421 = arith.constant -99 : i32
      %add3A_422 = arith.addi %add3A_420, %add3A_421 : i32
      %get3A_423 = arith.index_cast %add3A_422 : i32 to index
      %get3A_424 = tpu.vector_load %arg8[%get3A_423] {strides = array<i32>} : memref<848xf32, #tpu.memory_space<vmem>>, vector<16xf32>,
      %get3A_425 = vector.shape_cast %get3A_424 : vector<16xf32> to vector<16xf32>
      %sub3A_426 = arith.subf %get3A_55, %get3A_425 : vector<16xf32>
      %mul3A_427 = arith.mulf %select_n3A_394, %sub3A_426 : vector<16xf32>
      %add3A_428 = arith.addf %add3A_362, %mul3A_405 : vector<16xf32>
      %add3A_429 = arith.addf %add3A_363, %mul3A_416 : vector<16xf32>
      %add3A_430 = arith.addf %add3A_364, %mul3A_427 : vector<16xf32>
      %mul3A_431 = arith.mulf %mul3A_416, %mul3A_416 : vector<16xf32>
      %add3A_432 = arith.addf %add3A_368, %mul3A_431 : vector<16xf32>
      %mul3A_433 = arith.mulf %mul3A_427, %mul3A_427 : vector<16xf32>
      %add3A_434 = arith.addf %add3A_432, %mul3A_433 : vector<16xf32>
      %mul3A_435 = arith.mulf %mul3A_405, %mul3A_416 : vector<16xf32>
      %sub3A_436 = arith.subf %sub3A_370, %mul3A_435 : vector<16xf32>
      %mul3A_437 = arith.mulf %mul3A_405, %mul3A_427 : vector<16xf32>
      %sub3A_438 = arith.subf %sub3A_372, %mul3A_437 : vector<16xf32>
      %mul3A_439 = arith.mulf %mul3A_405, %mul3A_405 : vector<16xf32>
      %add3A_440 = arith.addf %add3A_376, %mul3A_439 : vector<16xf32>
      %mul3A_441 = arith.mulf %mul3A_427, %mul3A_427 : vector<16xf32>
      %add3A_442 = arith.addf %add3A_440, %mul3A_441 : vector<16xf32>
      %mul3A_443 = arith.mulf %mul3A_416, %mul3A_427 : vector<16xf32>
      %sub3A_444 = arith.subf %sub3A_378, %mul3A_443 : vector<16xf32>
      %mul3A_445 = arith.mulf %mul3A_405, %mul3A_405 : vector<16xf32>
      %add3A_446 = arith.addf %add3A_382, %mul3A_445 : vector<16xf32>
      %mul3A_447 = arith.mulf %mul3A_416, %mul3A_416 : vector<16xf32>
      %add3A_448 = arith.addf %add3A_446, %mul3A_447 : vector<16xf32>
      %mul3A_449 = arith.mulf %add3A_442, %add3A_448 : vector<16xf32>
      %mul3A_450 = arith.mulf %sub3A_444, %sub3A_444 : vector<16xf32>
      %sub3A_451 = arith.subf %mul3A_449, %mul3A_450 : vector<16xf32>
      %mul3A_452 = arith.mulf %add3A_434, %sub3A_451 : vector<16xf32>
      %mul3A_453 = arith.mulf %sub3A_436, %add3A_448 : vector<16xf32>
      %mul3A_454 = arith.mulf %sub3A_444, %sub3A_438 : vector<16xf32>
      %sub3A_455 = arith.subf %mul3A_453, %mul3A_454 : vector<16xf32>
      %mul3A_456 = arith.mulf %sub3A_436, %sub3A_455 : vector<16xf32>
      %sub3A_457 = arith.subf %mul3A_452, %mul3A_456 : vector<16xf32>
      %mul3A_458 = arith.mulf %sub3A_436, %sub3A_444 : vector<16xf32>
      %mul3A_459 = arith.mulf %add3A_442, %sub3A_438 : vector<16xf32>
      %sub3A_460 = arith.subf %mul3A_458, %mul3A_459 : vector<16xf32>
      %mul3A_461 = arith.mulf %sub3A_438, %sub3A_460 : vector<16xf32>
      %add3A_462 = arith.addf %sub3A_457, %mul3A_461 : vector<16xf32>
      %div3A = arith.constant 1.000000e+00 : f32
      %div3A_463 = vector.broadcast %div3A : f32 to vector<16xf32>
      %div3A_464 = arith.divf %div3A_463, %add3A_462 : vector<16xf32>
      %mul3A_465 = arith.mulf %add3A_442, %add3A_448 : vector<16xf32>
      %mul3A_466 = arith.mulf %sub3A_444, %sub3A_444 : vector<16xf32>
      %sub3A_467 = arith.subf %mul3A_465, %mul3A_466 : vector<16xf32>
      %mul3A_468 = arith.mulf %sub3A_467, %div3A_464 : vector<16xf32>
      %mul3A_469 = arith.mulf %sub3A_438, %sub3A_444 : vector<16xf32>
      %mul3A_470 = arith.mulf %sub3A_436, %add3A_448 : vector<16xf32>
      %sub3A_471 = arith.subf %mul3A_469, %mul3A_470 : vector<16xf32>
      %mul3A_472 = arith.mulf %sub3A_471, %div3A_464 : vector<16xf32>
      %mul3A_473 = arith.mulf %sub3A_436, %sub3A_444 : vector<16xf32>
      %mul3A_474 = arith.mulf %sub3A_438, %add3A_442 : vector<16xf32>
      %sub3A_475 = arith.subf %mul3A_473, %mul3A_474 : vector<16xf32>
      %mul3A_476 = arith.mulf %sub3A_475, %div3A_464 : vector<16xf32>
      %mul3A_477 = arith.mulf %add3A_434, %add3A_448 : vector<16xf32>
      %mul3A_478 = arith.mulf %sub3A_438, %sub3A_438 : vector<16xf32>
      %sub3A_479 = arith.subf %mul3A_477, %mul3A_478 : vector<16xf32>
      %mul3A_480 = arith.mulf %sub3A_479, %div3A_464 : vector<16xf32>
      %mul3A_481 = arith.mulf %sub3A_438, %sub3A_436 : vector<16xf32>
      %mul3A_482 = arith.mulf %add3A_434, %sub3A_444 : vector<16xf32>
      %sub3A_483 = arith.subf %mul3A_481, %mul3A_482 : vector<16xf32>
      %mul3A_484 = arith.mulf %sub3A_483, %div3A_464 : vector<16xf32>
      %mul3A_485 = arith.mulf %add3A_434, %add3A_442 : vector<16xf32>
      %mul3A_486 = arith.mulf %sub3A_436, %sub3A_436 : vector<16xf32>
      %sub3A_487 = arith.subf %mul3A_485, %mul3A_486 : vector<16xf32>
      %mul3A_488 = arith.mulf %sub3A_487, %div3A_464 : vector<16xf32>
      %mul3A_489 = arith.constant 16 : i32
      %mul3A_490 = arith.muli %scan3A_21, %mul3A_489 : i32
      %add3A_491 = arith.constant 0 : i32
      %add3A_492 = arith.addi %add3A_491, %mul3A_490 : i32
      %swap3A = arith.index_cast %add3A_492 : i32 to index
      %swap3A_493 = tpu.vector_load %arg9[%swap3A] {strides = array<i32>} : memref<17280xf32, #tpu.memory_space<vmem>>, vector<16xf32>,
      %swap3A_494 = vector.shape_cast %swap3A_493 : vector<16xf32> to vector<16xf32>
      %swap3A_495 = vector.shape_cast %mul3A_88 : vector<16xf32> to vector<16xf32>
      tpu.vector_store %arg9[%swap3A], %swap3A_495 {strides = array<i32>} : memref<17280xf32, #tpu.memory_space<vmem>>, vector<16xf32>,
      %mul3A_496 = arith.constant 16 : i32
      %mul3A_497 = arith.muli %scan3A_21, %mul3A_496 : i32
      %add3A_498 = arith.constant 640 : i32
      %add3A_499 = arith.addi %add3A_498, %mul3A_497 : i32
      %swap3A_500 = arith.index_cast %add3A_499 : i32 to index
      %swap3A_501 = tpu.vector_load %arg9[%swap3A_500] {strides = array<i32>} : memref<17280xf32, #tpu.memory_space<vmem>>, vector<16xf32>,
      %swap3A_502 = vector.shape_cast %swap3A_501 : vector<16xf32> to vector<16xf32>
      %swap3A_503 = vector.shape_cast %mul3A_99 : vector<16xf32> to vector<16xf32>
      tpu.vector_store %arg9[%swap3A_500], %swap3A_503 {strides = array<i32>} : memref<17280xf32, #tpu.memory_space<vmem>>, vector<16xf32>,
      %mul3A_504 = arith.constant 16 : i32
      %mul3A_505 = arith.muli %scan3A_21, %mul3A_504 : i32
      %add3A_506 = arith.constant 1280 : i32
      %add3A_507 = arith.addi %add3A_506, %mul3A_505 : i32
      %swap3A_508 = arith.index_cast %add3A_507 : i32 to index
      %swap3A_509 = tpu.vector_load %arg9[%swap3A_508] {strides = array<i32>} : memref<17280xf32, #tpu.memory_space<vmem>>, vector<16xf32>,
      %swap3A_510 = vector.shape_cast %swap3A_509 : vector<16xf32> to vector<16xf32>
      %swap3A_511 = vector.shape_cast %mul3A_110 : vector<16xf32> to vector<16xf32>
      tpu.vector_store %arg9[%swap3A_508], %swap3A_511 {strides = array<i32>} : memref<17280xf32, #tpu.memory_space<vmem>>, vector<16xf32>,
      %mul3A_512 = arith.constant 16 : i32
      %mul3A_513 = arith.muli %scan3A_21, %mul3A_512 : i32
      %add3A_514 = arith.constant 1920 : i32
      %add3A_515 = arith.addi %add3A_514, %mul3A_513 : i32
      %swap3A_516 = arith.index_cast %add3A_515 : i32 to index
      %swap3A_517 = tpu.vector_load %arg9[%swap3A_516] {strides = array<i32>} : memref<17280xf32, #tpu.memory_space<vmem>>, vector<16xf32>,
      %swap3A_518 = vector.shape_cast %swap3A_517 : vector<16xf32> to vector<16xf32>
      %swap3A_519 = vector.shape_cast %mul3A_149 : vector<16xf32> to vector<16xf32>
      tpu.vector_store %arg9[%swap3A_516], %swap3A_519 {strides = array<i32>} : memref<17280xf32, #tpu.memory_space<vmem>>, vector<16xf32>,
      %mul3A_520 = arith.constant 16 : i32
      %mul3A_521 = arith.muli %scan3A_21, %mul3A_520 : i32
      %add3A_522 = arith.constant 2560 : i32
      %add3A_523 = arith.addi %add3A_522, %mul3A_521 : i32
      %swap3A_524 = arith.index_cast %add3A_523 : i32 to index
      %swap3A_525 = tpu.vector_load %arg9[%swap3A_524] {strides = array<i32>} : memref<17280xf32, #tpu.memory_space<vmem>>, vector<16xf32>,
      %swap3A_526 = vector.shape_cast %swap3A_525 : vector<16xf32> to vector<16xf32>
      %swap3A_527 = vector.shape_cast %mul3A_160 : vector<16xf32> to vector<16xf32>
      tpu.vector_store %arg9[%swap3A_524], %swap3A_527 {strides = array<i32>} : memref<17280xf32, #tpu.memory_space<vmem>>, vector<16xf32>,
      %mul3A_528 = arith.constant 16 : i32
      %mul3A_529 = arith.muli %scan3A_21, %mul3A_528 : i32
      %add3A_530 = arith.constant 3200 : i32
      %add3A_531 = arith.addi %add3A_530, %mul3A_529 : i32
      %swap3A_532 = arith.index_cast %add3A_531 : i32 to index
      %swap3A_533 = tpu.vector_load %arg9[%swap3A_532] {strides = array<i32>} : memref<17280xf32, #tpu.memory_space<vmem>>, vector<16xf32>,
      %swap3A_534 = vector.shape_cast %swap3A_533 : vector<16xf32> to vector<16xf32>
      %swap3A_535 = vector.shape_cast %mul3A_171 : vector<16xf32> to vector<16xf32>
      tpu.vector_store %arg9[%swap3A_532], %swap3A_535 {strides = array<i32>} : memref<17280xf32, #tpu.memory_space<vmem>>, vector<16xf32>,
      %mul3A_536 = arith.constant 16 : i32
      %mul3A_537 = arith.muli %scan3A_21, %mul3A_536 : i32
      %add3A_538 = arith.constant 3840 : i32
      %add3A_539 = arith.addi %add3A_538, %mul3A_537 : i32
      %swap3A_540 = arith.index_cast %add3A_539 : i32 to index
      %swap3A_541 = tpu.vector_load %arg9[%swap3A_540] {strides = array<i32>} : memref<17280xf32, #tpu.memory_space<vmem>>, vector<16xf32>,
      %swap3A_542 = vector.shape_cast %swap3A_541 : vector<16xf32> to vector<16xf32>
      %swap3A_543 = vector.shape_cast %mul3A_211 : vector<16xf32> to vector<16xf32>
      tpu.vector_store %arg9[%swap3A_540], %swap3A_543 {strides = array<i32>} : memref<17280xf32, #tpu.memory_space<vmem>>, vector<16xf32>,
      %mul3A_544 = arith.constant 16 : i32
      %mul3A_545 = arith.muli %scan3A_21, %mul3A_544 : i32
      %add3A_546 = arith.constant 4480 : i32
      %add3A_547 = arith.addi %add3A_546, %mul3A_545 : i32
      %swap3A_548 = arith.index_cast %add3A_547 : i32 to index
      %swap3A_549 = tpu.vector_load %arg9[%swap3A_548] {strides = array<i32>} : memref<17280xf32, #tpu.memory_space<vmem>>, vector<16xf32>,
      %swap3A_550 = vector.shape_cast %swap3A_549 : vector<16xf32> to vector<16xf32>
      %swap3A_551 = vector.shape_cast %mul3A_222 : vector<16xf32> to vector<16xf32>
      tpu.vector_store %arg9[%swap3A_548], %swap3A_551 {strides = array<i32>} : memref<17280xf32, #tpu.memory_space<vmem>>, vector<16xf32>,
      %mul3A_552 = arith.constant 16 : i32
      %mul3A_553 = arith.muli %scan3A_21, %mul3A_552 : i32
      %add3A_554 = arith.constant 5120 : i32
      %add3A_555 = arith.addi %add3A_554, %mul3A_553 : i32
      %swap3A_556 = arith.index_cast %add3A_555 : i32 to index
      %swap3A_557 = tpu.vector_load %arg9[%swap3A_556] {strides = array<i32>} : memref<17280xf32, #tpu.memory_space<vmem>>, vector<16xf32>,
      %swap3A_558 = vector.shape_cast %swap3A_557 : vector<16xf32> to vector<16xf32>
      %swap3A_559 = vector.shape_cast %mul3A_233 : vector<16xf32> to vector<16xf32>
      tpu.vector_store %arg9[%swap3A_556], %swap3A_559 {strides = array<i32>} : memref<17280xf32, #tpu.memory_space<vmem>>, vector<16xf32>,
      %mul3A_560 = arith.constant 16 : i32
      %mul3A_561 = arith.muli %scan3A_21, %mul3A_560 : i32
      %add3A_562 = arith.constant 5760 : i32
      %add3A_563 = arith.addi %add3A_562, %mul3A_561 : i32
      %swap3A_564 = arith.index_cast %add3A_563 : i32 to index
      %swap3A_565 = tpu.vector_load %arg9[%swap3A_564] {strides = array<i32>} : memref<17280xf32, #tpu.memory_space<vmem>>, vector<16xf32>,
      %swap3A_566 = vector.shape_cast %swap3A_565 : vector<16xf32> to vector<16xf32>
      %swap3A_567 = vector.shape_cast %mul3A_273 : vector<16xf32> to vector<16xf32>
      tpu.vector_store %arg9[%swap3A_564], %swap3A_567 {strides = array<i32>} : memref<17280xf32, #tpu.memory_space<vmem>>, vector<16xf32>,
      %mul3A_568 = arith.constant 16 : i32
      %mul3A_569 = arith.muli %scan3A_21, %mul3A_568 : i32
      %add3A_570 = arith.constant 6400 : i32
      %add3A_571 = arith.addi %add3A_570, %mul3A_569 : i32
      %swap3A_572 = arith.index_cast %add3A_571 : i32 to index
      %swap3A_573 = tpu.vector_load %arg9[%swap3A_572] {strides = array<i32>} : memref<17280xf32, #tpu.memory_space<vmem>>, vector<16xf32>,
      %swap3A_574 = vector.shape_cast %swap3A_573 : vector<16xf32> to vector<16xf32>
      %swap3A_575 = vector.shape_cast %mul3A_284 : vector<16xf32> to vector<16xf32>
      tpu.vector_store %arg9[%swap3A_572], %swap3A_575 {strides = array<i32>} : memref<17280xf32, #tpu.memory_space<vmem>>, vector<16xf32>,
      %mul3A_576 = arith.constant 16 : i32
      %mul3A_577 = arith.muli %scan3A_21, %mul3A_576 : i32
      %add3A_578 = arith.constant 7040 : i32
      %add3A_579 = arith.addi %add3A_578, %mul3A_577 : i32
      %swap3A_580 = arith.index_cast %add3A_579 : i32 to index
      %swap3A_581 = tpu.vector_load %arg9[%swap3A_580] {strides = array<i32>} : memref<17280xf32, #tpu.memory_space<vmem>>, vector<16xf32>,
      %swap3A_582 = vector.shape_cast %swap3A_581 : vector<16xf32> to vector<16xf32>
      %swap3A_583 = vector.shape_cast %mul3A_295 : vector<16xf32> to vector<16xf32>
      tpu.vector_store %arg9[%swap3A_580], %swap3A_583 {strides = array<i32>} : memref<17280xf32, #tpu.memory_space<vmem>>, vector<16xf32>,
      %mul3A_584 = arith.constant 16 : i32
      %mul3A_585 = arith.muli %scan3A_21, %mul3A_584 : i32
      %add3A_586 = arith.constant 7680 : i32
      %add3A_587 = arith.addi %add3A_586, %mul3A_585 : i32
      %swap3A_588 = arith.index_cast %add3A_587 : i32 to index
      %swap3A_589 = tpu.vector_load %arg9[%swap3A_588] {strides = array<i32>} : memref<17280xf32, #tpu.memory_space<vmem>>, vector<16xf32>,
      %swap3A_590 = vector.shape_cast %swap3A_589 : vector<16xf32> to vector<16xf32>
      %swap3A_591 = vector.shape_cast %mul3A_339 : vector<16xf32> to vector<16xf32>
      tpu.vector_store %arg9[%swap3A_588], %swap3A_591 {strides = array<i32>} : memref<17280xf32, #tpu.memory_space<vmem>>, vector<16xf32>,
      %mul3A_592 = arith.constant 16 : i32
      %mul3A_593 = arith.muli %scan3A_21, %mul3A_592 : i32
      %add3A_594 = arith.constant 8320 : i32
      %add3A_595 = arith.addi %add3A_594, %mul3A_593 : i32
      %swap3A_596 = arith.index_cast %add3A_595 : i32 to index
      %swap3A_597 = tpu.vector_load %arg9[%swap3A_596] {strides = array<i32>} : memref<17280xf32, #tpu.memory_space<vmem>>, vector<16xf32>,
      %swap3A_598 = vector.shape_cast %swap3A_597 : vector<16xf32> to vector<16xf32>
      %swap3A_599 = vector.shape_cast %mul3A_350 : vector<16xf32> to vector<16xf32>
      tpu.vector_store %arg9[%swap3A_596], %swap3A_599 {strides = array<i32>} : memref<17280xf32, #tpu.memory_space<vmem>>, vector<16xf32>,
      %mul3A_600 = arith.constant 16 : i32
      %mul3A_601 = arith.muli %scan3A_21, %mul3A_600 : i32
      %add3A_602 = arith.constant 8960 : i32
      %add3A_603 = arith.addi %add3A_602, %mul3A_601 : i32
      %swap3A_604 = arith.index_cast %add3A_603 : i32 to index
      %swap3A_605 = tpu.vector_load %arg9[%swap3A_604] {strides = array<i32>} : memref<17280xf32, #tpu.memory_space<vmem>>, vector<16xf32>,
      %swap3A_606 = vector.shape_cast %swap3A_605 : vector<16xf32> to vector<16xf32>
      %swap3A_607 = vector.shape_cast %mul3A_361 : vector<16xf32> to vector<16xf32>
      tpu.vector_store %arg9[%swap3A_604], %swap3A_607 {strides = array<i32>} : memref<17280xf32, #tpu.memory_space<vmem>>, vector<16xf32>,
      %mul3A_608 = arith.constant 16 : i32
      %mul3A_609 = arith.muli %scan3A_21, %mul3A_608 : i32
      %add3A_610 = arith.constant 9600 : i32
      %add3A_611 = arith.addi %add3A_610, %mul3A_609 : i32
      %swap3A_612 = arith.index_cast %add3A_611 : i32 to index
      %swap3A_613 = tpu.vector_load %arg9[%swap3A_612] {strides = array<i32>} : memref<17280xf32, #tpu.memory_space<vmem>>, vector<16xf32>,
      %swap3A_614 = vector.shape_cast %swap3A_613 : vector<16xf32> to vector<16xf32>
      %swap3A_615 = vector.shape_cast %mul3A_405 : vector<16xf32> to vector<16xf32>
      tpu.vector_store %arg9[%swap3A_612], %swap3A_615 {strides = array<i32>} : memref<17280xf32, #tpu.memory_space<vmem>>, vector<16xf32>,
      %mul3A_616 = arith.constant 16 : i32
      %mul3A_617 = arith.muli %scan3A_21, %mul3A_616 : i32
      %add3A_618 = arith.constant 10240 : i32
      %add3A_619 = arith.addi %add3A_618, %mul3A_617 : i32
      %swap3A_620 = arith.index_cast %add3A_619 : i32 to index
      %swap3A_621 = tpu.vector_load %arg9[%swap3A_620] {strides = array<i32>} : memref<17280xf32, #tpu.memory_space<vmem>>, vector<16xf32>,
      %swap3A_622 = vector.shape_cast %swap3A_621 : vector<16xf32> to vector<16xf32>
      %swap3A_623 = vector.shape_cast %mul3A_416 : vector<16xf32> to vector<16xf32>
      tpu.vector_store %arg9[%swap3A_620], %swap3A_623 {strides = array<i32>} : memref<17280xf32, #tpu.memory_space<vmem>>, vector<16xf32>,
      %mul3A_624 = arith.constant 16 : i32
      %mul3A_625 = arith.muli %scan3A_21, %mul3A_624 : i32
      %add3A_626 = arith.constant 10880 : i32
      %add3A_627 = arith.addi %add3A_626, %mul3A_625 : i32
      %swap3A_628 = arith.index_cast %add3A_627 : i32 to index
      %swap3A_629 = tpu.vector_load %arg9[%swap3A_628] {strides = array<i32>} : memref<17280xf32, #tpu.memory_space<vmem>>, vector<16xf32>,
      %swap3A_630 = vector.shape_cast %swap3A_629 : vector<16xf32> to vector<16xf32>
      %swap3A_631 = vector.shape_cast %mul3A_427 : vector<16xf32> to vector<16xf32>
      tpu.vector_store %arg9[%swap3A_628], %swap3A_631 {strides = array<i32>} : memref<17280xf32, #tpu.memory_space<vmem>>, vector<16xf32>,
      %mul3A_632 = arith.constant 16 : i32
      %mul3A_633 = arith.muli %scan3A_21, %mul3A_632 : i32
      %add3A_634 = arith.constant 11520 : i32
      %add3A_635 = arith.addi %add3A_634, %mul3A_633 : i32
      %swap3A_636 = arith.index_cast %add3A_635 : i32 to index
      %swap3A_637 = tpu.vector_load %arg9[%swap3A_636] {strides = array<i32>} : memref<17280xf32, #tpu.memory_space<vmem>>, vector<16xf32>,
      %swap3A_638 = vector.shape_cast %swap3A_637 : vector<16xf32> to vector<16xf32>
      %swap3A_639 = vector.shape_cast %add3A_428 : vector<16xf32> to vector<16xf32>
      tpu.vector_store %arg9[%swap3A_636], %swap3A_639 {strides = array<i32>} : memref<17280xf32, #tpu.memory_space<vmem>>, vector<16xf32>,
      %mul3A_640 = arith.constant 16 : i32
      %mul3A_641 = arith.muli %scan3A_21, %mul3A_640 : i32
      %add3A_642 = arith.constant 12160 : i32
      %add3A_643 = arith.addi %add3A_642, %mul3A_641 : i32
      %swap3A_644 = arith.index_cast %add3A_643 : i32 to index
      %swap3A_645 = tpu.vector_load %arg9[%swap3A_644] {strides = array<i32>} : memref<17280xf32, #tpu.memory_space<vmem>>, vector<16xf32>,
      %swap3A_646 = vector.shape_cast %swap3A_645 : vector<16xf32> to vector<16xf32>
      %swap3A_647 = vector.shape_cast %add3A_429 : vector<16xf32> to vector<16xf32>
      tpu.vector_store %arg9[%swap3A_644], %swap3A_647 {strides = array<i32>} : memref<17280xf32, #tpu.memory_space<vmem>>, vector<16xf32>,
      %mul3A_648 = arith.constant 16 : i32
      %mul3A_649 = arith.muli %scan3A_21, %mul3A_648 : i32
      %add3A_650 = arith.constant 12800 : i32
      %add3A_651 = arith.addi %add3A_650, %mul3A_649 : i32
      %swap3A_652 = arith.index_cast %add3A_651 : i32 to index
      %swap3A_653 = tpu.vector_load %arg9[%swap3A_652] {strides = array<i32>} : memref<17280xf32, #tpu.memory_space<vmem>>, vector<16xf32>,
      %swap3A_654 = vector.shape_cast %swap3A_653 : vector<16xf32> to vector<16xf32>
      %swap3A_655 = vector.shape_cast %add3A_430 : vector<16xf32> to vector<16xf32>
      tpu.vector_store %arg9[%swap3A_652], %swap3A_655 {strides = array<i32>} : memref<17280xf32, #tpu.memory_space<vmem>>, vector<16xf32>,
      %mul3A_656 = arith.constant 16 : i32
      %mul3A_657 = arith.muli %scan3A_21, %mul3A_656 : i32
      %add3A_658 = arith.constant 13440 : i32
      %add3A_659 = arith.addi %add3A_658, %mul3A_657 : i32
      %swap3A_660 = arith.index_cast %add3A_659 : i32 to index
      %swap3A_661 = tpu.vector_load %arg9[%swap3A_660] {strides = array<i32>} : memref<17280xf32, #tpu.memory_space<vmem>>, vector<16xf32>,
      %swap3A_662 = vector.shape_cast %swap3A_661 : vector<16xf32> to vector<16xf32>
      %swap3A_663 = vector.shape_cast %mul3A_468 : vector<16xf32> to vector<16xf32>
      tpu.vector_store %arg9[%swap3A_660], %swap3A_663 {strides = array<i32>} : memref<17280xf32, #tpu.memory_space<vmem>>, vector<16xf32>,
      %mul3A_664 = arith.constant 16 : i32
      %mul3A_665 = arith.muli %scan3A_21, %mul3A_664 : i32
      %add3A_666 = arith.constant 14080 : i32
      %add3A_667 = arith.addi %add3A_666, %mul3A_665 : i32
      %swap3A_668 = arith.index_cast %add3A_667 : i32 to index
      %swap3A_669 = tpu.vector_load %arg9[%swap3A_668] {strides = array<i32>} : memref<17280xf32, #tpu.memory_space<vmem>>, vector<16xf32>,
      %swap3A_670 = vector.shape_cast %swap3A_669 : vector<16xf32> to vector<16xf32>
      %swap3A_671 = vector.shape_cast %mul3A_472 : vector<16xf32> to vector<16xf32>
      tpu.vector_store %arg9[%swap3A_668], %swap3A_671 {strides = array<i32>} : memref<17280xf32, #tpu.memory_space<vmem>>, vector<16xf32>,
      %mul3A_672 = arith.constant 16 : i32
      %mul3A_673 = arith.muli %scan3A_21, %mul3A_672 : i32
      %add3A_674 = arith.constant 14720 : i32
      %add3A_675 = arith.addi %add3A_674, %mul3A_673 : i32
      %swap3A_676 = arith.index_cast %add3A_675 : i32 to index
      %swap3A_677 = tpu.vector_load %arg9[%swap3A_676] {strides = array<i32>} : memref<17280xf32, #tpu.memory_space<vmem>>, vector<16xf32>,
      %swap3A_678 = vector.shape_cast %swap3A_677 : vector<16xf32> to vector<16xf32>
      %swap3A_679 = vector.shape_cast %mul3A_476 : vector<16xf32> to vector<16xf32>
      tpu.vector_store %arg9[%swap3A_676], %swap3A_679 {strides = array<i32>} : memref<17280xf32, #tpu.memory_space<vmem>>, vector<16xf32>,
      %mul3A_680 = arith.constant 16 : i32
      %mul3A_681 = arith.muli %scan3A_21, %mul3A_680 : i32
      %add3A_682 = arith.constant 15360 : i32
      %add3A_683 = arith.addi %add3A_682, %mul3A_681 : i32
      %swap3A_684 = arith.index_cast %add3A_683 : i32 to index
      %swap3A_685 = tpu.vector_load %arg9[%swap3A_684] {strides = array<i32>} : memref<17280xf32, #tpu.memory_space<vmem>>, vector<16xf32>,
      %swap3A_686 = vector.shape_cast %swap3A_685 : vector<16xf32> to vector<16xf32>
      %swap3A_687 = vector.shape_cast %mul3A_480 : vector<16xf32> to vector<16xf32>
      tpu.vector_store %arg9[%swap3A_684], %swap3A_687 {strides = array<i32>} : memref<17280xf32, #tpu.memory_space<vmem>>, vector<16xf32>,
      %mul3A_688 = arith.constant 16 : i32
      %mul3A_689 = arith.muli %scan3A_21, %mul3A_688 : i32
      %add3A_690 = arith.constant 16000 : i32
      %add3A_691 = arith.addi %add3A_690, %mul3A_689 : i32
      %swap3A_692 = arith.index_cast %add3A_691 : i32 to index
      %swap3A_693 = tpu.vector_load %arg9[%swap3A_692] {strides = array<i32>} : memref<17280xf32, #tpu.memory_space<vmem>>, vector<16xf32>,
      %swap3A_694 = vector.shape_cast %swap3A_693 : vector<16xf32> to vector<16xf32>
      %swap3A_695 = vector.shape_cast %mul3A_484 : vector<16xf32> to vector<16xf32>
      tpu.vector_store %arg9[%swap3A_692], %swap3A_695 {strides = array<i32>} : memref<17280xf32, #tpu.memory_space<vmem>>, vector<16xf32>,
      %mul3A_696 = arith.constant 16 : i32
      %mul3A_697 = arith.muli %scan3A_21, %mul3A_696 : i32
      %add3A_698 = arith.constant 16640 : i32
      %add3A_699 = arith.addi %add3A_698, %mul3A_697 : i32
      %swap3A_700 = arith.index_cast %add3A_699 : i32 to index
      %swap3A_701 = tpu.vector_load %arg9[%swap3A_700] {strides = array<i32>} : memref<17280xf32, #tpu.memory_space<vmem>>, vector<16xf32>,
      %swap3A_702 = vector.shape_cast %swap3A_701 : vector<16xf32> to vector<16xf32>
      %swap3A_703 = vector.shape_cast %mul3A_488 : vector<16xf32> to vector<16xf32>
      tpu.vector_store %arg9[%swap3A_700], %swap3A_703 {strides = array<i32>} : memref<17280xf32, #tpu.memory_space<vmem>>, vector<16xf32>,
    }
    %scan3A_18 = arith.constant 40 : i32
    %mul3A_19 = arith.constant 17280 : i32
    %mul3A_20 = arith.muli %add3A, %mul3A_19 : i32
    "tpu.region"() ({
      %run_scoped3A = tpu.sem_alloc : memref<!tpu.dma_semaphore, #tpu.memory_space<semaphore_mem>>
      %dma_start3A = tpu.memref_slice %arg5[%mul3A_20] : memref<552960xf32, #tpu.memory_space<hbm>> -> memref<17280xf32, #tpu.memory_space<hbm>>
      %dma_start3A_21 = tpu.memref_slice %arg5[%mul3A_20] : memref<552960xf32, #tpu.memory_space<hbm>> -> memref<17280xf32, #tpu.memory_space<hbm>>
      tpu.enqueue_dma source(%arg9 : memref<17280xf32, #tpu.memory_space<vmem>>) target(%dma_start3A_21 : memref<17280xf32, #tpu.memory_space<hbm>>) target_semaphore(%run_scoped3A : memref<!tpu.dma_semaphore, #tpu.memory_space<semaphore_mem>>)
      %dma_wait3A = tpu.memref_slice %arg5[%mul3A_20] : memref<552960xf32, #tpu.memory_space<hbm>> -> memref<17280xf32, #tpu.memory_space<hbm>>
      %dma_wait3A_22 = tpu.memref_slice %arg5[%mul3A_20] : memref<552960xf32, #tpu.memory_space<hbm>> -> memref<17280xf32, #tpu.memory_space<hbm>>
      tpu.wait_dma2 semaphore(%run_scoped3A : memref<!tpu.dma_semaphore, #tpu.memory_space<semaphore_mem>>) src(%arg9 : memref<17280xf32, #tpu.memory_space<vmem>>) dst(%dma_wait3A_22 : memref<17280xf32, #tpu.memory_space<hbm>>)
      tpu.yield
    }) : () -> ()
    return
  }
}

module attributes {stable_mosaic.version = 14 : i64} {
  func.func @_pad_cast_body(%arg0: i32, %arg1: i32, %arg2: memref<1x1000x192xf32, #tpu.memory_space<vmem>>, %arg3: memref<1x10208x192xbf16, #tpu.memory_space<vmem>>) attributes {dimension_semantics = [#tpu.dimension_semantics<arbitrary>, #tpu.dimension_semantics<arbitrary>], iteration_bounds = array<i64: 2, 10>, scalar_prefetch = 0 : i64, scratch_operands = 0 : i64, tpu.core_type = #tpu.core_type<tc>, window_params = [{transform_indices = @transform_0, window_bounds = array<i64: 1, 1000, 192>}, {transform_indices = @transform_1, window_bounds = array<i64: 1, 10208, 192>}]} {
    %mul3A = arith.constant 1000 : i32
    %mul3A_0 = arith.muli %arg1, %mul3A : i32
    %get3A = arith.constant 0 : index
    %get3A_1 = arith.constant 0 : index
    %get3A_2 = arith.constant 0 : index
    %get3A_3 = vector.load %arg2[%get3A, %get3A_1, %get3A_2] : memref<1x1000x192xf32, #tpu.memory_space<vmem>>, vector<1x1000x192xf32>
    %get3A_4 = vector.shape_cast %get3A_3 : vector<1x1000x192xf32> to vector<1000x192xf32>
    %convert_element_type3A = arith.truncf %get3A_4 : vector<1000x192xf32> to vector<1000x192xbf16>
    %add3A = arith.constant 104 : i32
    %add3A_5 = arith.addi %add3A, %mul3A_0 : i32
    %swap3A = arith.constant 0 : index
    %swap3A_6 = arith.index_cast %add3A_5 : i32 to index
    %swap3A_7 = arith.constant 0 : index
    %swap3A_8 = vector.load %arg3[%swap3A, %swap3A_6, %swap3A_7] : memref<1x10208x192xbf16, #tpu.memory_space<vmem>>, vector<1x1000x192xbf16>
    %swap3A_9 = vector.shape_cast %swap3A_8 : vector<1x1000x192xbf16> to vector<1000x192xbf16>
    %swap3A_10 = vector.shape_cast %convert_element_type3A : vector<1000x192xbf16> to vector<1x1000x192xbf16>
    tpu.vector_store %arg3[%swap3A, %swap3A_6, %swap3A_7], %swap3A_10 {strides = array<i32>} : memref<1x10208x192xbf16, #tpu.memory_space<vmem>>, vector<1x1000x192xbf16>,
    %eq3A = arith.constant 0 : i32
    %eq3A_11 = arith.cmpi eq, %arg1, %eq3A : i32
    %convert_element_type3A_12 = arith.extui %eq3A_11 : i1 to i32
    %cond3A = arith.constant 0 : i32
    %cond3A_13 = arith.cmpi ne, %convert_element_type3A_12, %cond3A : i32
    scf.if %cond3A_13 {
      %broadcast_in_dim3A = arith.constant 0.000000e+00 : bf16
      %broadcast_in_dim3A_14 = vector.broadcast %broadcast_in_dim3A : bf16 to vector<104x192xbf16>
      %swap3A_15 = arith.constant 0 : index
      %swap3A_16 = arith.constant 0 : index
      %swap3A_17 = arith.constant 0 : index
      %swap3A_18 = vector.load %arg3[%swap3A_15, %swap3A_16, %swap3A_17] : memref<1x10208x192xbf16, #tpu.memory_space<vmem>>, vector<1x104x192xbf16>
      %swap3A_19 = vector.shape_cast %swap3A_18 : vector<1x104x192xbf16> to vector<104x192xbf16>
      %swap3A_20 = vector.shape_cast %broadcast_in_dim3A_14 : vector<104x192xbf16> to vector<1x104x192xbf16>
      tpu.vector_store %arg3[%swap3A_15, %swap3A_16, %swap3A_17], %swap3A_20 {strides = array<i32>} : memref<1x10208x192xbf16, #tpu.memory_space<vmem>>, vector<1x104x192xbf16>,
      %swap3A_21 = arith.constant 0 : index
      %swap3A_22 = arith.constant 10104 : index
      %swap3A_23 = arith.constant 0 : index
      %swap3A_24 = vector.load %arg3[%swap3A_21, %swap3A_22, %swap3A_23] : memref<1x10208x192xbf16, #tpu.memory_space<vmem>>, vector<1x104x192xbf16>
      %swap3A_25 = vector.shape_cast %swap3A_24 : vector<1x104x192xbf16> to vector<104x192xbf16>
      %swap3A_26 = vector.shape_cast %broadcast_in_dim3A_14 : vector<104x192xbf16> to vector<1x104x192xbf16>
      tpu.vector_store %arg3[%swap3A_21, %swap3A_22, %swap3A_23], %swap3A_26 {strides = array<i32>} : memref<1x10208x192xbf16, #tpu.memory_space<vmem>>, vector<1x104x192xbf16>,
    } else {
    }
    return
  }
  func.func @transform_0(%arg0: i32, %arg1: i32) -> (i32, i32, i32) {
    %c0_i32 = arith.constant 0 : i32
    %c0_i32_0 = arith.constant 0 : i32
    return %arg0, %arg1, %c0_i32 : i32, i32, i32
  }
  func.func @transform_1(%arg0: i32, %arg1: i32) -> (i32, i32, i32) {
    %c0_i32 = arith.constant 0 : i32
    %c0_i32_0 = arith.constant 0 : i32
    %c0_i32_1 = arith.constant 0 : i32
    return %arg0, %c0_i32, %c0_i32_0 : i32, i32, i32
  }
}

module attributes {stable_mosaic.version = 14 : i64} {
  func.func @_assembly_body(%arg0: i32, %arg1: i32, %arg2: memref<1x1000x27xf32, #tpu.memory_space<vmem>>, %arg3: memref<1x10208x192xbf16, #tpu.memory_space<vmem>>, %arg4: memref<1x1000x1208xbf16, #tpu.memory_space<vmem>>, %arg5: memref<2x64x64xf32, #tpu.memory_space<vmem>>, %arg6: memref<1x1xf32, #tpu.memory_space<vmem>>) attributes {dimension_semantics = [#tpu.dimension_semantics<arbitrary>, #tpu.dimension_semantics<arbitrary>], iteration_bounds = array<i64: 2, 10>, scalar_prefetch = 0 : i64, scratch_operands = 0 : i64, tpu.core_type = #tpu.core_type<tc>, window_params = [{transform_indices = @transform_0, window_bounds = array<i64: 1, 1000, 27>}, {transform_indices = @transform_1, window_bounds = array<i64: 1, 10208, 192>}, {transform_indices = @transform_2, window_bounds = array<i64: 1, 1000, 1208>}, {pipeline_mode = #tpu.pipeline_mode<synchronous>, transform_indices = @transform_3, window_bounds = array<i64: 2, 64, 64>}, {pipeline_mode = #tpu.pipeline_mode<synchronous>, transform_indices = @transform_4, window_bounds = array<i64: 1, 1>}]} {
    %mul3A = arith.constant 1000 : i32
    %mul3A_0 = arith.muli %arg1, %mul3A : i32
    %get3A = arith.constant 0 : index
    %get3A_1 = arith.index_cast %mul3A_0 : i32 to index
    %get3A_2 = arith.constant 0 : index
    %get3A_3 = vector.load %arg3[%get3A, %get3A_1, %get3A_2] : memref<1x10208x192xbf16, #tpu.memory_space<vmem>>, vector<1x1208x192xbf16>
    %get3A_4 = vector.shape_cast %get3A_3 : vector<1x1208x192xbf16> to vector<1208x192xbf16>
    %get3A_5 = arith.constant 0 : index
    %get3A_6 = arith.constant 0 : index
    %get3A_7 = arith.constant 0 : index
    %get3A_8 = vector.load %arg2[%get3A_5, %get3A_6, %get3A_7] : memref<1x1000x27xf32, #tpu.memory_space<vmem>>, vector<1x1000x27xf32>
    %get3A_9 = vector.shape_cast %get3A_8 : vector<1x1000x27xf32> to vector<1000x27xf32>
    %broadcast_in_dim3A = arith.constant 0.000000e+00 : bf16
    %broadcast_in_dim3A_10 = vector.broadcast %broadcast_in_dim3A : bf16 to vector<1000x64xbf16>
    %broadcast_in_dim3A_11 = arith.constant 0.000000e+00 : bf16
    %broadcast_in_dim3A_12 = vector.broadcast %broadcast_in_dim3A_11 : bf16 to vector<1000x64xbf16>
    %broadcast_in_dim3A_13 = arith.constant 0.000000e+00 : bf16
    %broadcast_in_dim3A_14 = vector.broadcast %broadcast_in_dim3A_13 : bf16 to vector<1000x64xbf16>
    %slice3A = vector.extract_strided_slice %get3A_9 {offsets = [0, 0], sizes = [1000, 1], strides = [1, 1]} : vector<1000x27xf32> to vector<1000x1xf32>
    %convert_element_type3A = arith.truncf %slice3A : vector<1000x1xf32> to vector<1000x1xbf16>
    %slice3A_15 = vector.extract_strided_slice %get3A_9 {offsets = [0, 1], sizes = [1000, 1], strides = [1, 1]} : vector<1000x27xf32> to vector<1000x1xf32>
    %convert_element_type3A_16 = arith.truncf %slice3A_15 : vector<1000x1xf32> to vector<1000x1xbf16>
    %slice3A_17 = vector.extract_strided_slice %get3A_9 {offsets = [0, 2], sizes = [1000, 1], strides = [1, 1]} : vector<1000x27xf32> to vector<1000x1xf32>
    %convert_element_type3A_18 = arith.truncf %slice3A_17 : vector<1000x1xf32> to vector<1000x1xbf16>
    %slice3A_19 = vector.extract_strided_slice %get3A_4 {offsets = [105, 0], sizes = [1000, 64], strides = [1, 1]} : vector<1208x192xbf16> to vector<1000x64xbf16>
    %slice3A_20 = vector.extract_strided_slice %get3A_4 {offsets = [105, 64], sizes = [1000, 64], strides = [1, 1]} : vector<1208x192xbf16> to vector<1000x64xbf16>
    %slice3A_21 = vector.extract_strided_slice %get3A_4 {offsets = [105, 128], sizes = [1000, 64], strides = [1, 1]} : vector<1208x192xbf16> to vector<1000x64xbf16>
    %mul3A_22 = vector.broadcast %convert_element_type3A_16 : vector<1000x1xbf16> to vector<1000x64xbf16>
    %mul3A_23 = arith.mulf %mul3A_22, %slice3A_21 : vector<1000x64xbf16>
    %mul3A_24 = vector.broadcast %convert_element_type3A_18 : vector<1000x1xbf16> to vector<1000x64xbf16>
    %mul3A_25 = arith.mulf %mul3A_24, %slice3A_20 : vector<1000x64xbf16>
    %sub3A = arith.subf %mul3A_23, %mul3A_25 : vector<1000x64xbf16>
    %add3A = arith.addf %broadcast_in_dim3A_10, %sub3A : vector<1000x64xbf16>
    %mul3A_26 = vector.broadcast %convert_element_type3A_18 : vector<1000x1xbf16> to vector<1000x64xbf16>
    %mul3A_27 = arith.mulf %mul3A_26, %slice3A_19 : vector<1000x64xbf16>
    %mul3A_28 = vector.broadcast %convert_element_type3A : vector<1000x1xbf16> to vector<1000x64xbf16>
    %mul3A_29 = arith.mulf %mul3A_28, %slice3A_21 : vector<1000x64xbf16>
    %sub3A_30 = arith.subf %mul3A_27, %mul3A_29 : vector<1000x64xbf16>
    %add3A_31 = arith.addf %broadcast_in_dim3A_12, %sub3A_30 : vector<1000x64xbf16>
    %mul3A_32 = vector.broadcast %convert_element_type3A : vector<1000x1xbf16> to vector<1000x64xbf16>
    %mul3A_33 = arith.mulf %mul3A_32, %slice3A_20 : vector<1000x64xbf16>
    %mul3A_34 = vector.broadcast %convert_element_type3A_16 : vector<1000x1xbf16> to vector<1000x64xbf16>
    %mul3A_35 = arith.mulf %mul3A_34, %slice3A_19 : vector<1000x64xbf16>
    %sub3A_36 = arith.subf %mul3A_33, %mul3A_35 : vector<1000x64xbf16>
    %add3A_37 = arith.addf %broadcast_in_dim3A_14, %sub3A_36 : vector<1000x64xbf16>
    %slice3A_38 = vector.extract_strided_slice %get3A_9 {offsets = [0, 3], sizes = [1000, 1], strides = [1, 1]} : vector<1000x27xf32> to vector<1000x1xf32>
    %convert_element_type3A_39 = arith.truncf %slice3A_38 : vector<1000x1xf32> to vector<1000x1xbf16>
    %slice3A_40 = vector.extract_strided_slice %get3A_9 {offsets = [0, 4], sizes = [1000, 1], strides = [1, 1]} : vector<1000x27xf32> to vector<1000x1xf32>
    %convert_element_type3A_41 = arith.truncf %slice3A_40 : vector<1000x1xf32> to vector<1000x1xbf16>
    %slice3A_42 = vector.extract_strided_slice %get3A_9 {offsets = [0, 5], sizes = [1000, 1], strides = [1, 1]} : vector<1000x27xf32> to vector<1000x1xf32>
    %convert_element_type3A_43 = arith.truncf %slice3A_42 : vector<1000x1xf32> to vector<1000x1xbf16>
    %slice3A_44 = vector.extract_strided_slice %get3A_4 {offsets = [103, 0], sizes = [1000, 64], strides = [1, 1]} : vector<1208x192xbf16> to vector<1000x64xbf16>
    %slice3A_45 = vector.extract_strided_slice %get3A_4 {offsets = [103, 64], sizes = [1000, 64], strides = [1, 1]} : vector<1208x192xbf16> to vector<1000x64xbf16>
    %slice3A_46 = vector.extract_strided_slice %get3A_4 {offsets = [103, 128], sizes = [1000, 64], strides = [1, 1]} : vector<1208x192xbf16> to vector<1000x64xbf16>
    %mul3A_47 = vector.broadcast %convert_element_type3A_41 : vector<1000x1xbf16> to vector<1000x64xbf16>
    %mul3A_48 = arith.mulf %mul3A_47, %slice3A_46 : vector<1000x64xbf16>
    %mul3A_49 = vector.broadcast %convert_element_type3A_43 : vector<1000x1xbf16> to vector<1000x64xbf16>
    %mul3A_50 = arith.mulf %mul3A_49, %slice3A_45 : vector<1000x64xbf16>
    %sub3A_51 = arith.subf %mul3A_48, %mul3A_50 : vector<1000x64xbf16>
    %add3A_52 = arith.addf %add3A, %sub3A_51 : vector<1000x64xbf16>
    %mul3A_53 = vector.broadcast %convert_element_type3A_43 : vector<1000x1xbf16> to vector<1000x64xbf16>
    %mul3A_54 = arith.mulf %mul3A_53, %slice3A_44 : vector<1000x64xbf16>
    %mul3A_55 = vector.broadcast %convert_element_type3A_39 : vector<1000x1xbf16> to vector<1000x64xbf16>
    %mul3A_56 = arith.mulf %mul3A_55, %slice3A_46 : vector<1000x64xbf16>
    %sub3A_57 = arith.subf %mul3A_54, %mul3A_56 : vector<1000x64xbf16>
    %add3A_58 = arith.addf %add3A_31, %sub3A_57 : vector<1000x64xbf16>
    %mul3A_59 = vector.broadcast %convert_element_type3A_39 : vector<1000x1xbf16> to vector<1000x64xbf16>
    %mul3A_60 = arith.mulf %mul3A_59, %slice3A_45 : vector<1000x64xbf16>
    %mul3A_61 = vector.broadcast %convert_element_type3A_41 : vector<1000x1xbf16> to vector<1000x64xbf16>
    %mul3A_62 = arith.mulf %mul3A_61, %slice3A_44 : vector<1000x64xbf16>
    %sub3A_63 = arith.subf %mul3A_60, %mul3A_62 : vector<1000x64xbf16>
    %add3A_64 = arith.addf %add3A_37, %sub3A_63 : vector<1000x64xbf16>
    %slice3A_65 = vector.extract_strided_slice %get3A_9 {offsets = [0, 6], sizes = [1000, 1], strides = [1, 1]} : vector<1000x27xf32> to vector<1000x1xf32>
    %convert_element_type3A_66 = arith.truncf %slice3A_65 : vector<1000x1xf32> to vector<1000x1xbf16>
    %slice3A_67 = vector.extract_strided_slice %get3A_9 {offsets = [0, 7], sizes = [1000, 1], strides = [1, 1]} : vector<1000x27xf32> to vector<1000x1xf32>
    %convert_element_type3A_68 = arith.truncf %slice3A_67 : vector<1000x1xf32> to vector<1000x1xbf16>
    %slice3A_69 = vector.extract_strided_slice %get3A_9 {offsets = [0, 8], sizes = [1000, 1], strides = [1, 1]} : vector<1000x27xf32> to vector<1000x1xf32>
    %convert_element_type3A_70 = arith.truncf %slice3A_69 : vector<1000x1xf32> to vector<1000x1xbf16>
    %slice3A_71 = vector.extract_strided_slice %get3A_4 {offsets = [204, 0], sizes = [1000, 64], strides = [1, 1]} : vector<1208x192xbf16> to vector<1000x64xbf16>
    %slice3A_72 = vector.extract_strided_slice %get3A_4 {offsets = [204, 64], sizes = [1000, 64], strides = [1, 1]} : vector<1208x192xbf16> to vector<1000x64xbf16>
    %slice3A_73 = vector.extract_strided_slice %get3A_4 {offsets = [204, 128], sizes = [1000, 64], strides = [1, 1]} : vector<1208x192xbf16> to vector<1000x64xbf16>
    %mul3A_74 = vector.broadcast %convert_element_type3A_68 : vector<1000x1xbf16> to vector<1000x64xbf16>
    %mul3A_75 = arith.mulf %mul3A_74, %slice3A_73 : vector<1000x64xbf16>
    %mul3A_76 = vector.broadcast %convert_element_type3A_70 : vector<1000x1xbf16> to vector<1000x64xbf16>
    %mul3A_77 = arith.mulf %mul3A_76, %slice3A_72 : vector<1000x64xbf16>
    %sub3A_78 = arith.subf %mul3A_75, %mul3A_77 : vector<1000x64xbf16>
    %add3A_79 = arith.addf %add3A_52, %sub3A_78 : vector<1000x64xbf16>
    %mul3A_80 = vector.broadcast %convert_element_type3A_70 : vector<1000x1xbf16> to vector<1000x64xbf16>
    %mul3A_81 = arith.mulf %mul3A_80, %slice3A_71 : vector<1000x64xbf16>
    %mul3A_82 = vector.broadcast %convert_element_type3A_66 : vector<1000x1xbf16> to vector<1000x64xbf16>
    %mul3A_83 = arith.mulf %mul3A_82, %slice3A_73 : vector<1000x64xbf16>
    %sub3A_84 = arith.subf %mul3A_81, %mul3A_83 : vector<1000x64xbf16>
    %add3A_85 = arith.addf %add3A_58, %sub3A_84 : vector<1000x64xbf16>
    %mul3A_86 = vector.broadcast %convert_element_type3A_66 : vector<1000x1xbf16> to vector<1000x64xbf16>
    %mul3A_87 = arith.mulf %mul3A_86, %slice3A_72 : vector<1000x64xbf16>
    %mul3A_88 = vector.broadcast %convert_element_type3A_68 : vector<1000x1xbf16> to vector<1000x64xbf16>
    %mul3A_89 = arith.mulf %mul3A_88, %slice3A_71 : vector<1000x64xbf16>
    %sub3A_90 = arith.subf %mul3A_87, %mul3A_89 : vector<1000x64xbf16>
    %add3A_91 = arith.addf %add3A_64, %sub3A_90 : vector<1000x64xbf16>
    %slice3A_92 = vector.extract_strided_slice %get3A_9 {offsets = [0, 9], sizes = [1000, 1], strides = [1, 1]} : vector<1000x27xf32> to vector<1000x1xf32>
    %convert_element_type3A_93 = arith.truncf %slice3A_92 : vector<1000x1xf32> to vector<1000x1xbf16>
    %slice3A_94 = vector.extract_strided_slice %get3A_9 {offsets = [0, 10], sizes = [1000, 1], strides = [1, 1]} : vector<1000x27xf32> to vector<1000x1xf32>
    %convert_element_type3A_95 = arith.truncf %slice3A_94 : vector<1000x1xf32> to vector<1000x1xbf16>
    %slice3A_96 = vector.extract_strided_slice %get3A_9 {offsets = [0, 11], sizes = [1000, 1], strides = [1, 1]} : vector<1000x27xf32> to vector<1000x1xf32>
    %convert_element_type3A_97 = arith.truncf %slice3A_96 : vector<1000x1xf32> to vector<1000x1xbf16>
    %slice3A_98 = vector.extract_strided_slice %get3A_4 {offsets = [4, 0], sizes = [1000, 64], strides = [1, 1]} : vector<1208x192xbf16> to vector<1000x64xbf16>
    %slice3A_99 = vector.extract_strided_slice %get3A_4 {offsets = [4, 64], sizes = [1000, 64], strides = [1, 1]} : vector<1208x192xbf16> to vector<1000x64xbf16>
    %slice3A_100 = vector.extract_strided_slice %get3A_4 {offsets = [4, 128], sizes = [1000, 64], strides = [1, 1]} : vector<1208x192xbf16> to vector<1000x64xbf16>
    %mul3A_101 = vector.broadcast %convert_element_type3A_95 : vector<1000x1xbf16> to vector<1000x64xbf16>
    %mul3A_102 = arith.mulf %mul3A_101, %slice3A_100 : vector<1000x64xbf16>
    %mul3A_103 = vector.broadcast %convert_element_type3A_97 : vector<1000x1xbf16> to vector<1000x64xbf16>
    %mul3A_104 = arith.mulf %mul3A_103, %slice3A_99 : vector<1000x64xbf16>
    %sub3A_105 = arith.subf %mul3A_102, %mul3A_104 : vector<1000x64xbf16>
    %add3A_106 = arith.addf %add3A_79, %sub3A_105 : vector<1000x64xbf16>
    %mul3A_107 = vector.broadcast %convert_element_type3A_97 : vector<1000x1xbf16> to vector<1000x64xbf16>
    %mul3A_108 = arith.mulf %mul3A_107, %slice3A_98 : vector<1000x64xbf16>
    %mul3A_109 = vector.broadcast %convert_element_type3A_93 : vector<1000x1xbf16> to vector<1000x64xbf16>
    %mul3A_110 = arith.mulf %mul3A_109, %slice3A_100 : vector<1000x64xbf16>
    %sub3A_111 = arith.subf %mul3A_108, %mul3A_110 : vector<1000x64xbf16>
    %add3A_112 = arith.addf %add3A_85, %sub3A_111 : vector<1000x64xbf16>
    %mul3A_113 = vector.broadcast %convert_element_type3A_93 : vector<1000x1xbf16> to vector<1000x64xbf16>
    %mul3A_114 = arith.mulf %mul3A_113, %slice3A_99 : vector<1000x64xbf16>
    %mul3A_115 = vector.broadcast %convert_element_type3A_95 : vector<1000x1xbf16> to vector<1000x64xbf16>
    %mul3A_116 = arith.mulf %mul3A_115, %slice3A_98 : vector<1000x64xbf16>
    %sub3A_117 = arith.subf %mul3A_114, %mul3A_116 : vector<1000x64xbf16>
    %add3A_118 = arith.addf %add3A_91, %sub3A_117 : vector<1000x64xbf16>
    %slice3A_119 = vector.extract_strided_slice %get3A_9 {offsets = [0, 12], sizes = [1000, 1], strides = [1, 1]} : vector<1000x27xf32> to vector<1000x1xf32>
    %convert_element_type3A_120 = arith.truncf %slice3A_119 : vector<1000x1xf32> to vector<1000x1xbf16>
    %slice3A_121 = vector.extract_strided_slice %get3A_9 {offsets = [0, 13], sizes = [1000, 1], strides = [1, 1]} : vector<1000x27xf32> to vector<1000x1xf32>
    %convert_element_type3A_122 = arith.truncf %slice3A_121 : vector<1000x1xf32> to vector<1000x1xbf16>
    %slice3A_123 = vector.extract_strided_slice %get3A_9 {offsets = [0, 14], sizes = [1000, 1], strides = [1, 1]} : vector<1000x27xf32> to vector<1000x1xf32>
    %convert_element_type3A_124 = arith.truncf %slice3A_123 : vector<1000x1xf32> to vector<1000x1xbf16>
    %slice3A_125 = vector.extract_strided_slice %get3A_4 {offsets = [203, 0], sizes = [1000, 64], strides = [1, 1]} : vector<1208x192xbf16> to vector<1000x64xbf16>
    %slice3A_126 = vector.extract_strided_slice %get3A_4 {offsets = [203, 64], sizes = [1000, 64], strides = [1, 1]} : vector<1208x192xbf16> to vector<1000x64xbf16>
    %slice3A_127 = vector.extract_strided_slice %get3A_4 {offsets = [203, 128], sizes = [1000, 64], strides = [1, 1]} : vector<1208x192xbf16> to vector<1000x64xbf16>
    %mul3A_128 = vector.broadcast %convert_element_type3A_122 : vector<1000x1xbf16> to vector<1000x64xbf16>
    %mul3A_129 = arith.mulf %mul3A_128, %slice3A_127 : vector<1000x64xbf16>
    %mul3A_130 = vector.broadcast %convert_element_type3A_124 : vector<1000x1xbf16> to vector<1000x64xbf16>
    %mul3A_131 = arith.mulf %mul3A_130, %slice3A_126 : vector<1000x64xbf16>
    %sub3A_132 = arith.subf %mul3A_129, %mul3A_131 : vector<1000x64xbf16>
    %add3A_133 = arith.addf %add3A_106, %sub3A_132 : vector<1000x64xbf16>
    %mul3A_134 = vector.broadcast %convert_element_type3A_124 : vector<1000x1xbf16> to vector<1000x64xbf16>
    %mul3A_135 = arith.mulf %mul3A_134, %slice3A_125 : vector<1000x64xbf16>
    %mul3A_136 = vector.broadcast %convert_element_type3A_120 : vector<1000x1xbf16> to vector<1000x64xbf16>
    %mul3A_137 = arith.mulf %mul3A_136, %slice3A_127 : vector<1000x64xbf16>
    %sub3A_138 = arith.subf %mul3A_135, %mul3A_137 : vector<1000x64xbf16>
    %add3A_139 = arith.addf %add3A_112, %sub3A_138 : vector<1000x64xbf16>
    %mul3A_140 = vector.broadcast %convert_element_type3A_120 : vector<1000x1xbf16> to vector<1000x64xbf16>
    %mul3A_141 = arith.mulf %mul3A_140, %slice3A_126 : vector<1000x64xbf16>
    %mul3A_142 = vector.broadcast %convert_element_type3A_122 : vector<1000x1xbf16> to vector<1000x64xbf16>
    %mul3A_143 = arith.mulf %mul3A_142, %slice3A_125 : vector<1000x64xbf16>
    %sub3A_144 = arith.subf %mul3A_141, %mul3A_143 : vector<1000x64xbf16>
    %add3A_145 = arith.addf %add3A_118, %sub3A_144 : vector<1000x64xbf16>
    %slice3A_146 = vector.extract_strided_slice %get3A_9 {offsets = [0, 15], sizes = [1000, 1], strides = [1, 1]} : vector<1000x27xf32> to vector<1000x1xf32>
    %convert_element_type3A_147 = arith.truncf %slice3A_146 : vector<1000x1xf32> to vector<1000x1xbf16>
    %slice3A_148 = vector.extract_strided_slice %get3A_9 {offsets = [0, 16], sizes = [1000, 1], strides = [1, 1]} : vector<1000x27xf32> to vector<1000x1xf32>
    %convert_element_type3A_149 = arith.truncf %slice3A_148 : vector<1000x1xf32> to vector<1000x1xbf16>
    %slice3A_150 = vector.extract_strided_slice %get3A_9 {offsets = [0, 17], sizes = [1000, 1], strides = [1, 1]} : vector<1000x27xf32> to vector<1000x1xf32>
    %convert_element_type3A_151 = arith.truncf %slice3A_150 : vector<1000x1xf32> to vector<1000x1xbf16>
    %slice3A_152 = vector.extract_strided_slice %get3A_4 {offsets = [5, 0], sizes = [1000, 64], strides = [1, 1]} : vector<1208x192xbf16> to vector<1000x64xbf16>
    %slice3A_153 = vector.extract_strided_slice %get3A_4 {offsets = [5, 64], sizes = [1000, 64], strides = [1, 1]} : vector<1208x192xbf16> to vector<1000x64xbf16>
    %slice3A_154 = vector.extract_strided_slice %get3A_4 {offsets = [5, 128], sizes = [1000, 64], strides = [1, 1]} : vector<1208x192xbf16> to vector<1000x64xbf16>
    %mul3A_155 = vector.broadcast %convert_element_type3A_149 : vector<1000x1xbf16> to vector<1000x64xbf16>
    %mul3A_156 = arith.mulf %mul3A_155, %slice3A_154 : vector<1000x64xbf16>
    %mul3A_157 = vector.broadcast %convert_element_type3A_151 : vector<1000x1xbf16> to vector<1000x64xbf16>
    %mul3A_158 = arith.mulf %mul3A_157, %slice3A_153 : vector<1000x64xbf16>
    %sub3A_159 = arith.subf %mul3A_156, %mul3A_158 : vector<1000x64xbf16>
    %add3A_160 = arith.addf %add3A_133, %sub3A_159 : vector<1000x64xbf16>
    %mul3A_161 = vector.broadcast %convert_element_type3A_151 : vector<1000x1xbf16> to vector<1000x64xbf16>
    %mul3A_162 = arith.mulf %mul3A_161, %slice3A_152 : vector<1000x64xbf16>
    %mul3A_163 = vector.broadcast %convert_element_type3A_147 : vector<1000x1xbf16> to vector<1000x64xbf16>
    %mul3A_164 = arith.mulf %mul3A_163, %slice3A_154 : vector<1000x64xbf16>
    %sub3A_165 = arith.subf %mul3A_162, %mul3A_164 : vector<1000x64xbf16>
    %add3A_166 = arith.addf %add3A_139, %sub3A_165 : vector<1000x64xbf16>
    %mul3A_167 = vector.broadcast %convert_element_type3A_147 : vector<1000x1xbf16> to vector<1000x64xbf16>
    %mul3A_168 = arith.mulf %mul3A_167, %slice3A_153 : vector<1000x64xbf16>
    %mul3A_169 = vector.broadcast %convert_element_type3A_149 : vector<1000x1xbf16> to vector<1000x64xbf16>
    %mul3A_170 = arith.mulf %mul3A_169, %slice3A_152 : vector<1000x64xbf16>
    %sub3A_171 = arith.subf %mul3A_168, %mul3A_170 : vector<1000x64xbf16>
    %add3A_172 = arith.addf %add3A_145, %sub3A_171 : vector<1000x64xbf16>
    %slice3A_173 = vector.extract_strided_slice %get3A_4 {offsets = [104, 0], sizes = [1000, 64], strides = [1, 1]} : vector<1208x192xbf16> to vector<1000x64xbf16>
    %slice3A_174 = vector.extract_strided_slice %get3A_4 {offsets = [104, 64], sizes = [1000, 64], strides = [1, 1]} : vector<1208x192xbf16> to vector<1000x64xbf16>
    %slice3A_175 = vector.extract_strided_slice %get3A_4 {offsets = [104, 128], sizes = [1000, 64], strides = [1, 1]} : vector<1208x192xbf16> to vector<1000x64xbf16>
    %slice3A_176 = vector.extract_strided_slice %get3A_9 {offsets = [0, 18], sizes = [1000, 1], strides = [1, 1]} : vector<1000x27xf32> to vector<1000x1xf32>
    %convert_element_type3A_177 = arith.truncf %slice3A_176 : vector<1000x1xf32> to vector<1000x1xbf16>
    %slice3A_178 = vector.extract_strided_slice %get3A_9 {offsets = [0, 19], sizes = [1000, 1], strides = [1, 1]} : vector<1000x27xf32> to vector<1000x1xf32>
    %convert_element_type3A_179 = arith.truncf %slice3A_178 : vector<1000x1xf32> to vector<1000x1xbf16>
    %slice3A_180 = vector.extract_strided_slice %get3A_9 {offsets = [0, 20], sizes = [1000, 1], strides = [1, 1]} : vector<1000x27xf32> to vector<1000x1xf32>
    %convert_element_type3A_181 = arith.truncf %slice3A_180 : vector<1000x1xf32> to vector<1000x1xbf16>
    %mul3A_182 = vector.broadcast %convert_element_type3A_179 : vector<1000x1xbf16> to vector<1000x64xbf16>
    %mul3A_183 = arith.mulf %mul3A_182, %slice3A_175 : vector<1000x64xbf16>
    %mul3A_184 = vector.broadcast %convert_element_type3A_181 : vector<1000x1xbf16> to vector<1000x64xbf16>
    %mul3A_185 = arith.mulf %mul3A_184, %slice3A_174 : vector<1000x64xbf16>
    %sub3A_186 = arith.subf %mul3A_183, %mul3A_185 : vector<1000x64xbf16>
    %sub3A_187 = arith.subf %add3A_160, %sub3A_186 : vector<1000x64xbf16>
    %mul3A_188 = vector.broadcast %convert_element_type3A_181 : vector<1000x1xbf16> to vector<1000x64xbf16>
    %mul3A_189 = arith.mulf %mul3A_188, %slice3A_173 : vector<1000x64xbf16>
    %mul3A_190 = vector.broadcast %convert_element_type3A_177 : vector<1000x1xbf16> to vector<1000x64xbf16>
    %mul3A_191 = arith.mulf %mul3A_190, %slice3A_175 : vector<1000x64xbf16>
    %sub3A_192 = arith.subf %mul3A_189, %mul3A_191 : vector<1000x64xbf16>
    %sub3A_193 = arith.subf %add3A_166, %sub3A_192 : vector<1000x64xbf16>
    %mul3A_194 = vector.broadcast %convert_element_type3A_177 : vector<1000x1xbf16> to vector<1000x64xbf16>
    %mul3A_195 = arith.mulf %mul3A_194, %slice3A_174 : vector<1000x64xbf16>
    %mul3A_196 = vector.broadcast %convert_element_type3A_179 : vector<1000x1xbf16> to vector<1000x64xbf16>
    %mul3A_197 = arith.mulf %mul3A_196, %slice3A_173 : vector<1000x64xbf16>
    %sub3A_198 = arith.subf %mul3A_195, %mul3A_197 : vector<1000x64xbf16>
    %sub3A_199 = arith.subf %add3A_172, %sub3A_198 : vector<1000x64xbf16>
    %get3A_200 = arith.constant 0 : index
    %get3A_201 = arith.constant 0 : index
    %get3A_202 = arith.constant 0 : index
    %get3A_203 = vector.load %arg4[%get3A_200, %get3A_201, %get3A_202] : memref<1x1000x1208xbf16, #tpu.memory_space<vmem>>, vector<1x1000x1208xbf16>
    %get3A_204 = vector.shape_cast %get3A_203 : vector<1x1000x1208xbf16> to vector<1000x1208xbf16>
    %dot_general3A = arith.constant dense<0.000000e+00> : vector<1000x192xf32>
    %dot_general3A_205 = tpu.matmul %get3A_204, %get3A_4, %dot_general3A {dimension_numbers = #tpu.dot_dimension_numbers<[1], [0], [0], [1], [0, 0, 1, 1], [], []>, transpose_lhs_hint = false} : vector<1000x1208xbf16>, vector<1208x192xbf16>, vector<1000x192xf32> -> vector<1000x192xf32>
    %convert_element_type3A_206 = arith.truncf %dot_general3A_205 : vector<1000x192xf32> to vector<1000x192xbf16>
    %slice3A_207 = vector.extract_strided_slice %convert_element_type3A_206 {offsets = [0, 0], sizes = [1000, 64], strides = [1, 1]} : vector<1000x192xbf16> to vector<1000x64xbf16>
    %dot_general3A_208 = arith.constant dense<0.000000e+00> : vector<64x64xf32>
    %dot_general3A_209 = tpu.matmul %slice3A_173, %slice3A_207, %dot_general3A_208 {dimension_numbers = #tpu.dot_dimension_numbers<[0], [0], [1], [1], [0, 1, 1, 1], [], []>, transpose_lhs_hint = false} : vector<1000x64xbf16>, vector<1000x64xbf16>, vector<64x64xf32> -> vector<64x64xf32>
    %slice3A_210 = vector.extract_strided_slice %convert_element_type3A_206 {offsets = [0, 64], sizes = [1000, 64], strides = [1, 1]} : vector<1000x192xbf16> to vector<1000x64xbf16>
    %dot_general3A_211 = arith.constant dense<0.000000e+00> : vector<64x64xf32>
    %dot_general3A_212 = tpu.matmul %slice3A_174, %slice3A_210, %dot_general3A_211 {dimension_numbers = #tpu.dot_dimension_numbers<[0], [0], [1], [1], [0, 1, 1, 1], [], []>, transpose_lhs_hint = false} : vector<1000x64xbf16>, vector<1000x64xbf16>, vector<64x64xf32> -> vector<64x64xf32>
    %add3A_213 = arith.addf %dot_general3A_209, %dot_general3A_212 : vector<64x64xf32>
    %slice3A_214 = vector.extract_strided_slice %convert_element_type3A_206 {offsets = [0, 128], sizes = [1000, 64], strides = [1, 1]} : vector<1000x192xbf16> to vector<1000x64xbf16>
    %dot_general3A_215 = arith.constant dense<0.000000e+00> : vector<64x64xf32>
    %dot_general3A_216 = tpu.matmul %slice3A_175, %slice3A_214, %dot_general3A_215 {dimension_numbers = #tpu.dot_dimension_numbers<[0], [0], [1], [1], [0, 1, 1, 1], [], []>, transpose_lhs_hint = false} : vector<1000x64xbf16>, vector<1000x64xbf16>, vector<64x64xf32> -> vector<64x64xf32>
    %add3A_217 = arith.addf %add3A_213, %dot_general3A_216 : vector<64x64xf32>
    %slice3A_218 = vector.extract_strided_slice %get3A_9 {offsets = [0, 21], sizes = [1000, 1], strides = [1, 1]} : vector<1000x27xf32> to vector<1000x1xf32>
    %convert_element_type3A_219 = arith.truncf %slice3A_218 : vector<1000x1xf32> to vector<1000x1xbf16>
    %slice3A_220 = vector.extract_strided_slice %get3A_9 {offsets = [0, 22], sizes = [1000, 1], strides = [1, 1]} : vector<1000x27xf32> to vector<1000x1xf32>
    %convert_element_type3A_221 = arith.truncf %slice3A_220 : vector<1000x1xf32> to vector<1000x1xbf16>
    %slice3A_222 = vector.extract_strided_slice %get3A_9 {offsets = [0, 23], sizes = [1000, 1], strides = [1, 1]} : vector<1000x27xf32> to vector<1000x1xf32>
    %convert_element_type3A_223 = arith.truncf %slice3A_222 : vector<1000x1xf32> to vector<1000x1xbf16>
    %slice3A_224 = vector.extract_strided_slice %get3A_9 {offsets = [0, 24], sizes = [1000, 1], strides = [1, 1]} : vector<1000x27xf32> to vector<1000x1xf32>
    %convert_element_type3A_225 = arith.truncf %slice3A_224 : vector<1000x1xf32> to vector<1000x1xbf16>
    %slice3A_226 = vector.extract_strided_slice %get3A_9 {offsets = [0, 25], sizes = [1000, 1], strides = [1, 1]} : vector<1000x27xf32> to vector<1000x1xf32>
    %convert_element_type3A_227 = arith.truncf %slice3A_226 : vector<1000x1xf32> to vector<1000x1xbf16>
    %slice3A_228 = vector.extract_strided_slice %get3A_9 {offsets = [0, 26], sizes = [1000, 1], strides = [1, 1]} : vector<1000x27xf32> to vector<1000x1xf32>
    %convert_element_type3A_229 = arith.truncf %slice3A_228 : vector<1000x1xf32> to vector<1000x1xbf16>
    %mul3A_230 = vector.broadcast %convert_element_type3A_219 : vector<1000x1xbf16> to vector<1000x64xbf16>
    %mul3A_231 = arith.mulf %mul3A_230, %sub3A_187 : vector<1000x64xbf16>
    %mul3A_232 = vector.broadcast %convert_element_type3A_221 : vector<1000x1xbf16> to vector<1000x64xbf16>
    %mul3A_233 = arith.mulf %mul3A_232, %sub3A_193 : vector<1000x64xbf16>
    %add3A_234 = arith.addf %mul3A_231, %mul3A_233 : vector<1000x64xbf16>
    %mul3A_235 = vector.broadcast %convert_element_type3A_223 : vector<1000x1xbf16> to vector<1000x64xbf16>
    %mul3A_236 = arith.mulf %mul3A_235, %sub3A_199 : vector<1000x64xbf16>
    %add3A_237 = arith.addf %add3A_234, %mul3A_236 : vector<1000x64xbf16>
    %mul3A_238 = vector.broadcast %convert_element_type3A_221 : vector<1000x1xbf16> to vector<1000x64xbf16>
    %mul3A_239 = arith.mulf %mul3A_238, %sub3A_187 : vector<1000x64xbf16>
    %mul3A_240 = vector.broadcast %convert_element_type3A_225 : vector<1000x1xbf16> to vector<1000x64xbf16>
    %mul3A_241 = arith.mulf %mul3A_240, %sub3A_193 : vector<1000x64xbf16>
    %add3A_242 = arith.addf %mul3A_239, %mul3A_241 : vector<1000x64xbf16>
    %mul3A_243 = vector.broadcast %convert_element_type3A_227 : vector<1000x1xbf16> to vector<1000x64xbf16>
    %mul3A_244 = arith.mulf %mul3A_243, %sub3A_199 : vector<1000x64xbf16>
    %add3A_245 = arith.addf %add3A_242, %mul3A_244 : vector<1000x64xbf16>
    %mul3A_246 = vector.broadcast %convert_element_type3A_223 : vector<1000x1xbf16> to vector<1000x64xbf16>
    %mul3A_247 = arith.mulf %mul3A_246, %sub3A_187 : vector<1000x64xbf16>
    %mul3A_248 = vector.broadcast %convert_element_type3A_227 : vector<1000x1xbf16> to vector<1000x64xbf16>
    %mul3A_249 = arith.mulf %mul3A_248, %sub3A_193 : vector<1000x64xbf16>
    %add3A_250 = arith.addf %mul3A_247, %mul3A_249 : vector<1000x64xbf16>
    %mul3A_251 = vector.broadcast %convert_element_type3A_229 : vector<1000x1xbf16> to vector<1000x64xbf16>
    %mul3A_252 = arith.mulf %mul3A_251, %sub3A_199 : vector<1000x64xbf16>
    %add3A_253 = arith.addf %add3A_250, %mul3A_252 : vector<1000x64xbf16>
    %dot_general3A_254 = arith.constant dense<0.000000e+00> : vector<64x64xf32>
    %dot_general3A_255 = tpu.matmul %sub3A_187, %add3A_237, %dot_general3A_254 {dimension_numbers = #tpu.dot_dimension_numbers<[0], [0], [1], [1], [0, 1, 1, 1], [], []>, transpose_lhs_hint = false} : vector<1000x64xbf16>, vector<1000x64xbf16>, vector<64x64xf32> -> vector<64x64xf32>
    %dot_general3A_256 = arith.constant dense<0.000000e+00> : vector<64x64xf32>
    %dot_general3A_257 = tpu.matmul %sub3A_193, %add3A_245, %dot_general3A_256 {dimension_numbers = #tpu.dot_dimension_numbers<[0], [0], [1], [1], [0, 1, 1, 1], [], []>, transpose_lhs_hint = false} : vector<1000x64xbf16>, vector<1000x64xbf16>, vector<64x64xf32> -> vector<64x64xf32>
    %add3A_258 = arith.addf %dot_general3A_255, %dot_general3A_257 : vector<64x64xf32>
    %dot_general3A_259 = arith.constant dense<0.000000e+00> : vector<64x64xf32>
    %dot_general3A_260 = tpu.matmul %sub3A_199, %add3A_253, %dot_general3A_259 {dimension_numbers = #tpu.dot_dimension_numbers<[0], [0], [1], [1], [0, 1, 1, 1], [], []>, transpose_lhs_hint = false} : vector<1000x64xbf16>, vector<1000x64xbf16>, vector<64x64xf32> -> vector<64x64xf32>
    %add3A_261 = arith.addf %add3A_258, %dot_general3A_260 : vector<64x64xf32>
    %sub3A_262 = arith.subf %add3A_217, %add3A_261 : vector<64x64xf32>
    %eq3A = arith.constant 0 : i32
    %eq3A_263 = arith.cmpi eq, %arg1, %eq3A : i32
    %convert_element_type3A_264 = arith.extui %eq3A_263 : i1 to i32
    %cond3A = arith.constant 0 : i32
    %cond3A_265 = arith.cmpi ne, %convert_element_type3A_264, %cond3A : i32
    scf.if %cond3A_265 {
      %broadcast_in_dim3A_277 = vector.shape_cast %sub3A_262 : vector<64x64xf32> to vector<1x64x64xf32>
      %swap3A = arith.index_cast %arg0 : i32 to index
      %swap3A_278 = arith.constant 0 : index
      %swap3A_279 = arith.constant 0 : index
      %swap3A_280 = vector.load %arg5[%swap3A, %swap3A_278, %swap3A_279] : memref<2x64x64xf32, #tpu.memory_space<vmem>>, vector<1x64x64xf32>
      tpu.vector_store %arg5[%swap3A, %swap3A_278, %swap3A_279], %broadcast_in_dim3A_277 {strides = array<i32>} : memref<2x64x64xf32, #tpu.memory_space<vmem>>, vector<1x64x64xf32>,
    } else {
    }
    %gt3A = arith.constant 0 : i32
    %gt3A_266 = arith.cmpi sgt, %arg1, %gt3A : i32
    %convert_element_type3A_267 = arith.extui %gt3A_266 : i1 to i32
    %cond3A_268 = arith.constant 0 : i32
    %cond3A_269 = arith.cmpi ne, %convert_element_type3A_267, %cond3A_268 : i32
    scf.if %cond3A_269 {
      %get3A_277 = arith.index_cast %arg0 : i32 to index
      %get3A_278 = arith.constant 0 : index
      %get3A_279 = arith.constant 0 : index
      %get3A_280 = vector.load %arg5[%get3A_277, %get3A_278, %get3A_279] : memref<2x64x64xf32, #tpu.memory_space<vmem>>, vector<1x64x64xf32>
      %broadcast_in_dim3A_281 = vector.shape_cast %sub3A_262 : vector<64x64xf32> to vector<1x64x64xf32>
      %add3A_282 = arith.addf %get3A_280, %broadcast_in_dim3A_281 : vector<1x64x64xf32>
      %swap3A = arith.index_cast %arg0 : i32 to index
      %swap3A_283 = arith.constant 0 : index
      %swap3A_284 = arith.constant 0 : index
      %swap3A_285 = vector.load %arg5[%swap3A, %swap3A_283, %swap3A_284] : memref<2x64x64xf32, #tpu.memory_space<vmem>>, vector<1x64x64xf32>
      tpu.vector_store %arg5[%swap3A, %swap3A_283, %swap3A_284], %add3A_282 {strides = array<i32>} : memref<2x64x64xf32, #tpu.memory_space<vmem>>, vector<1x64x64xf32>,
    } else {
    }
    %eq3A_270 = arith.constant 1 : i32
    %eq3A_271 = arith.cmpi eq, %arg0, %eq3A_270 : i32
    %eq3A_272 = arith.constant 9 : i32
    %eq3A_273 = arith.cmpi eq, %arg1, %eq3A_272 : i32
    %and3A = arith.andi %eq3A_271, %eq3A_273 : i1
    %convert_element_type3A_274 = arith.extui %and3A : i1 to i32
    %cond3A_275 = arith.constant 0 : i32
    %cond3A_276 = arith.cmpi ne, %convert_element_type3A_274, %cond3A_275 : i32
    scf.if %cond3A_276 {
      %iota3A = tpu.iota {dimensions = array<i32: 0>} : vector<128x128xi32>
      %iota3A_277 = tpu.iota {dimensions = array<i32: 1>} : vector<128x128xi32>
      %eq3A_278 = arith.cmpi eq, %iota3A, %iota3A_277 : vector<128x128xi32>
      %convert_element_type3A_279 = arith.extui %eq3A_278 : vector<128x128xi1> to vector<128x128xi32>
      %convert_element_type3A_280 = arith.sitofp %convert_element_type3A_279 : vector<128x128xi32> to vector<128x128xf32>
      %get3A_281 = arith.constant 0 : index
      %get3A_282 = arith.constant 0 : index
      %get3A_283 = arith.constant 0 : index
      %get3A_284 = vector.load %arg5[%get3A_281, %get3A_282, %get3A_283] : memref<2x64x64xf32, #tpu.memory_space<vmem>>, vector<1x64x64xf32>
      %get3A_285 = vector.shape_cast %get3A_284 : vector<1x64x64xf32> to vector<64x64xf32>
      %broadcast_in_dim3A_286 = arith.constant 0.000000e+00 : f32
      %broadcast_in_dim3A_287 = vector.broadcast %broadcast_in_dim3A_286 : f32 to vector<64x64xf32>
      %concatenate3A = tpu.concatenate %get3A_285, %broadcast_in_dim3A_287 in 1 : vector<64x64xf32>, vector<64x64xf32> -> vector<64x128xf32>
      %broadcast_in_dim3A_288 = arith.constant 0.000000e+00 : f32
      %broadcast_in_dim3A_289 = vector.broadcast %broadcast_in_dim3A_288 : f32 to vector<64x64xf32>
      %get3A_290 = arith.constant 1 : index
      %get3A_291 = arith.constant 0 : index
      %get3A_292 = arith.constant 0 : index
      %get3A_293 = vector.load %arg5[%get3A_290, %get3A_291, %get3A_292] : memref<2x64x64xf32, #tpu.memory_space<vmem>>, vector<1x64x64xf32>
      %get3A_294 = vector.shape_cast %get3A_293 : vector<1x64x64xf32> to vector<64x64xf32>
      %concatenate3A_295 = tpu.concatenate %broadcast_in_dim3A_289, %get3A_294 in 1 : vector<64x64xf32>, vector<64x64xf32> -> vector<64x128xf32>
      %concatenate3A_296 = tpu.concatenate %concatenate3A, %concatenate3A_295 in 0 : vector<64x128xf32>, vector<64x128xf32> -> vector<128x128xf32>
      %mul3A_297 = arith.mulf %concatenate3A_296, %concatenate3A_296 : vector<128x128xf32>
      %reduce_sum3A = vector.shape_cast %mul3A_297 : vector<128x128xf32> to vector<1x128x128xf32>
      %reduce_sum3A_298 = arith.constant dense<0.000000e+00> : vector<1xf32>
      %reduce_sum3A_299 = vector.multi_reduction <add>, %reduce_sum3A, %reduce_sum3A_298 [1, 2] : vector<1x128x128xf32> to vector<1xf32>
      %reduce_sum3A_300 = vector.shape_cast %reduce_sum3A_299 : vector<1xf32> to vector<1x1x1xf32>
      %reduce_sum3A_301 = vector.extract %reduce_sum3A_300[0, 0, 0] : f32 from vector<1x1x1xf32>
      %sqrt3A = math.sqrt %reduce_sum3A_301 : f32
      %div3A = vector.broadcast %sqrt3A : f32 to vector<128x128xf32>
      %div3A_302 = arith.divf %concatenate3A_296, %div3A : vector<128x128xf32>
      %mul3A_303 = arith.constant 1.500000e+00 : f32
      %mul3A_304 = vector.broadcast %mul3A_303 : f32 to vector<128x128xf32>
      %mul3A_305 = arith.mulf %mul3A_304, %convert_element_type3A_280 : vector<128x128xf32>
      %dot_general3A_306 = arith.constant dense<0.000000e+00> : vector<128x128xf32>
      %dot_general3A_307 = tpu.matmul %convert_element_type3A_280, %div3A_302, %dot_general3A_306 {dimension_numbers = #tpu.dot_dimension_numbers<[1], [0], [0], [1], [0, 0, 1, 1], [], []>, precision = #tpu.contract_precision<fp32>, transpose_lhs_hint = false} : vector<128x128xf32>, vector<128x128xf32>, vector<128x128xf32> -> vector<128x128xf32>
      %mul3A_308 = arith.constant 5.000000e-01 : f32
      %mul3A_309 = vector.broadcast %mul3A_308 : f32 to vector<128x128xf32>
      %mul3A_310 = arith.mulf %mul3A_309, %dot_general3A_307 : vector<128x128xf32>
      %sub3A_311 = arith.subf %mul3A_305, %mul3A_310 : vector<128x128xf32>
      %dot_general3A_312 = arith.constant dense<0.000000e+00> : vector<128x128xf32>
      %dot_general3A_313 = tpu.matmul %div3A_302, %sub3A_311, %dot_general3A_312 {dimension_numbers = #tpu.dot_dimension_numbers<[1], [0], [0], [1], [0, 0, 1, 1], [], []>, precision = #tpu.contract_precision<fp32>, transpose_lhs_hint = false} : vector<128x128xf32>, vector<128x128xf32>, vector<128x128xf32> -> vector<128x128xf32>
      %dot_general3A_314 = arith.constant dense<0.000000e+00> : vector<128x128xf32>
      %dot_general3A_315 = tpu.matmul %sub3A_311, %convert_element_type3A_280, %dot_general3A_314 {dimension_numbers = #tpu.dot_dimension_numbers<[1], [0], [0], [1], [0, 0, 1, 1], [], []>, precision = #tpu.contract_precision<fp32>, transpose_lhs_hint = false} : vector<128x128xf32>, vector<128x128xf32>, vector<128x128xf32> -> vector<128x128xf32>
      %mul3A_316 = arith.constant 1.500000e+00 : f32
      %mul3A_317 = vector.broadcast %mul3A_316 : f32 to vector<128x128xf32>
      %mul3A_318 = arith.mulf %mul3A_317, %convert_element_type3A_280 : vector<128x128xf32>
      %dot_general3A_319 = arith.constant dense<0.000000e+00> : vector<128x128xf32>
      %dot_general3A_320 = tpu.matmul %dot_general3A_315, %dot_general3A_313, %dot_general3A_319 {dimension_numbers = #tpu.dot_dimension_numbers<[1], [0], [0], [1], [0, 0, 1, 1], [], []>, precision = #tpu.contract_precision<fp32>, transpose_lhs_hint = false} : vector<128x128xf32>, vector<128x128xf32>, vector<128x128xf32> -> vector<128x128xf32>
      %mul3A_321 = arith.constant 5.000000e-01 : f32
      %mul3A_322 = vector.broadcast %mul3A_321 : f32 to vector<128x128xf32>
      %mul3A_323 = arith.mulf %mul3A_322, %dot_general3A_320 : vector<128x128xf32>
      %sub3A_324 = arith.subf %mul3A_318, %mul3A_323 : vector<128x128xf32>
      %dot_general3A_325 = arith.constant dense<0.000000e+00> : vector<128x128xf32>
      %dot_general3A_326 = tpu.matmul %dot_general3A_313, %sub3A_324, %dot_general3A_325 {dimension_numbers = #tpu.dot_dimension_numbers<[1], [0], [0], [1], [0, 0, 1, 1], [], []>, precision = #tpu.contract_precision<fp32>, transpose_lhs_hint = false} : vector<128x128xf32>, vector<128x128xf32>, vector<128x128xf32> -> vector<128x128xf32>
      %dot_general3A_327 = arith.constant dense<0.000000e+00> : vector<128x128xf32>
      %dot_general3A_328 = tpu.matmul %sub3A_324, %dot_general3A_315, %dot_general3A_327 {dimension_numbers = #tpu.dot_dimension_numbers<[1], [0], [0], [1], [0, 0, 1, 1], [], []>, precision = #tpu.contract_precision<fp32>, transpose_lhs_hint = false} : vector<128x128xf32>, vector<128x128xf32>, vector<128x128xf32> -> vector<128x128xf32>
      %mul3A_329 = arith.constant 1.500000e+00 : f32
      %mul3A_330 = vector.broadcast %mul3A_329 : f32 to vector<128x128xf32>
      %mul3A_331 = arith.mulf %mul3A_330, %convert_element_type3A_280 : vector<128x128xf32>
      %dot_general3A_332 = arith.constant dense<0.000000e+00> : vector<128x128xf32>
      %dot_general3A_333 = tpu.matmul %dot_general3A_328, %dot_general3A_326, %dot_general3A_332 {dimension_numbers = #tpu.dot_dimension_numbers<[1], [0], [0], [1], [0, 0, 1, 1], [], []>, precision = #tpu.contract_precision<fp32>, transpose_lhs_hint = false} : vector<128x128xf32>, vector<128x128xf32>, vector<128x128xf32> -> vector<128x128xf32>
      %mul3A_334 = arith.constant 5.000000e-01 : f32
      %mul3A_335 = vector.broadcast %mul3A_334 : f32 to vector<128x128xf32>
      %mul3A_336 = arith.mulf %mul3A_335, %dot_general3A_333 : vector<128x128xf32>
      %sub3A_337 = arith.subf %mul3A_331, %mul3A_336 : vector<128x128xf32>
      %dot_general3A_338 = arith.constant dense<0.000000e+00> : vector<128x128xf32>
      %dot_general3A_339 = tpu.matmul %dot_general3A_326, %sub3A_337, %dot_general3A_338 {dimension_numbers = #tpu.dot_dimension_numbers<[1], [0], [0], [1], [0, 0, 1, 1], [], []>, precision = #tpu.contract_precision<fp32>, transpose_lhs_hint = false} : vector<128x128xf32>, vector<128x128xf32>, vector<128x128xf32> -> vector<128x128xf32>
      %dot_general3A_340 = arith.constant dense<0.000000e+00> : vector<128x128xf32>
      %dot_general3A_341 = tpu.matmul %sub3A_337, %dot_general3A_328, %dot_general3A_340 {dimension_numbers = #tpu.dot_dimension_numbers<[1], [0], [0], [1], [0, 0, 1, 1], [], []>, precision = #tpu.contract_precision<fp32>, transpose_lhs_hint = false} : vector<128x128xf32>, vector<128x128xf32>, vector<128x128xf32> -> vector<128x128xf32>
      %mul3A_342 = arith.constant 1.500000e+00 : f32
      %mul3A_343 = vector.broadcast %mul3A_342 : f32 to vector<128x128xf32>
      %mul3A_344 = arith.mulf %mul3A_343, %convert_element_type3A_280 : vector<128x128xf32>
      %dot_general3A_345 = arith.constant dense<0.000000e+00> : vector<128x128xf32>
      %dot_general3A_346 = tpu.matmul %dot_general3A_341, %dot_general3A_339, %dot_general3A_345 {dimension_numbers = #tpu.dot_dimension_numbers<[1], [0], [0], [1], [0, 0, 1, 1], [], []>, precision = #tpu.contract_precision<fp32>, transpose_lhs_hint = false} : vector<128x128xf32>, vector<128x128xf32>, vector<128x128xf32> -> vector<128x128xf32>
      %mul3A_347 = arith.constant 5.000000e-01 : f32
      %mul3A_348 = vector.broadcast %mul3A_347 : f32 to vector<128x128xf32>
      %mul3A_349 = arith.mulf %mul3A_348, %dot_general3A_346 : vector<128x128xf32>
      %sub3A_350 = arith.subf %mul3A_344, %mul3A_349 : vector<128x128xf32>
      %dot_general3A_351 = arith.constant dense<0.000000e+00> : vector<128x128xf32>
      %dot_general3A_352 = tpu.matmul %dot_general3A_339, %sub3A_350, %dot_general3A_351 {dimension_numbers = #tpu.dot_dimension_numbers<[1], [0], [0], [1], [0, 0, 1, 1], [], []>, precision = #tpu.contract_precision<fp32>, transpose_lhs_hint = false} : vector<128x128xf32>, vector<128x128xf32>, vector<128x128xf32> -> vector<128x128xf32>
      %dot_general3A_353 = arith.constant dense<0.000000e+00> : vector<128x128xf32>
      %dot_general3A_354 = tpu.matmul %sub3A_350, %dot_general3A_341, %dot_general3A_353 {dimension_numbers = #tpu.dot_dimension_numbers<[1], [0], [0], [1], [0, 0, 1, 1], [], []>, precision = #tpu.contract_precision<fp32>, transpose_lhs_hint = false} : vector<128x128xf32>, vector<128x128xf32>, vector<128x128xf32> -> vector<128x128xf32>
      %mul3A_355 = arith.constant 1.500000e+00 : f32
      %mul3A_356 = vector.broadcast %mul3A_355 : f32 to vector<128x128xf32>
      %mul3A_357 = arith.mulf %mul3A_356, %convert_element_type3A_280 : vector<128x128xf32>
      %dot_general3A_358 = arith.constant dense<0.000000e+00> : vector<128x128xf32>
      %dot_general3A_359 = tpu.matmul %dot_general3A_354, %dot_general3A_352, %dot_general3A_358 {dimension_numbers = #tpu.dot_dimension_numbers<[1], [0], [0], [1], [0, 0, 1, 1], [], []>, precision = #tpu.contract_precision<fp32>, transpose_lhs_hint = false} : vector<128x128xf32>, vector<128x128xf32>, vector<128x128xf32> -> vector<128x128xf32>
      %mul3A_360 = arith.constant 5.000000e-01 : f32
      %mul3A_361 = vector.broadcast %mul3A_360 : f32 to vector<128x128xf32>
      %mul3A_362 = arith.mulf %mul3A_361, %dot_general3A_359 : vector<128x128xf32>
      %sub3A_363 = arith.subf %mul3A_357, %mul3A_362 : vector<128x128xf32>
      %dot_general3A_364 = arith.constant dense<0.000000e+00> : vector<128x128xf32>
      %dot_general3A_365 = tpu.matmul %dot_general3A_352, %sub3A_363, %dot_general3A_364 {dimension_numbers = #tpu.dot_dimension_numbers<[1], [0], [0], [1], [0, 0, 1, 1], [], []>, precision = #tpu.contract_precision<fp32>, transpose_lhs_hint = false} : vector<128x128xf32>, vector<128x128xf32>, vector<128x128xf32> -> vector<128x128xf32>
      %dot_general3A_366 = arith.constant dense<0.000000e+00> : vector<128x128xf32>
      %dot_general3A_367 = tpu.matmul %sub3A_363, %dot_general3A_354, %dot_general3A_366 {dimension_numbers = #tpu.dot_dimension_numbers<[1], [0], [0], [1], [0, 0, 1, 1], [], []>, precision = #tpu.contract_precision<fp32>, transpose_lhs_hint = false} : vector<128x128xf32>, vector<128x128xf32>, vector<128x128xf32> -> vector<128x128xf32>
      %mul3A_368 = arith.constant 1.500000e+00 : f32
      %mul3A_369 = vector.broadcast %mul3A_368 : f32 to vector<128x128xf32>
      %mul3A_370 = arith.mulf %mul3A_369, %convert_element_type3A_280 : vector<128x128xf32>
      %dot_general3A_371 = arith.constant dense<0.000000e+00> : vector<128x128xf32>
      %dot_general3A_372 = tpu.matmul %dot_general3A_367, %dot_general3A_365, %dot_general3A_371 {dimension_numbers = #tpu.dot_dimension_numbers<[1], [0], [0], [1], [0, 0, 1, 1], [], []>, precision = #tpu.contract_precision<fp32>, transpose_lhs_hint = false} : vector<128x128xf32>, vector<128x128xf32>, vector<128x128xf32> -> vector<128x128xf32>
      %mul3A_373 = arith.constant 5.000000e-01 : f32
      %mul3A_374 = vector.broadcast %mul3A_373 : f32 to vector<128x128xf32>
      %mul3A_375 = arith.mulf %mul3A_374, %dot_general3A_372 : vector<128x128xf32>
      %sub3A_376 = arith.subf %mul3A_370, %mul3A_375 : vector<128x128xf32>
      %dot_general3A_377 = arith.constant dense<0.000000e+00> : vector<128x128xf32>
      %dot_general3A_378 = tpu.matmul %dot_general3A_365, %sub3A_376, %dot_general3A_377 {dimension_numbers = #tpu.dot_dimension_numbers<[1], [0], [0], [1], [0, 0, 1, 1], [], []>, precision = #tpu.contract_precision<fp32>, transpose_lhs_hint = false} : vector<128x128xf32>, vector<128x128xf32>, vector<128x128xf32> -> vector<128x128xf32>
      %dot_general3A_379 = arith.constant dense<0.000000e+00> : vector<128x128xf32>
      %dot_general3A_380 = tpu.matmul %sub3A_376, %dot_general3A_367, %dot_general3A_379 {dimension_numbers = #tpu.dot_dimension_numbers<[1], [0], [0], [1], [0, 0, 1, 1], [], []>, precision = #tpu.contract_precision<fp32>, transpose_lhs_hint = false} : vector<128x128xf32>, vector<128x128xf32>, vector<128x128xf32> -> vector<128x128xf32>
      %mul3A_381 = arith.constant 1.500000e+00 : f32
      %mul3A_382 = vector.broadcast %mul3A_381 : f32 to vector<128x128xf32>
      %mul3A_383 = arith.mulf %mul3A_382, %convert_element_type3A_280 : vector<128x128xf32>
      %dot_general3A_384 = arith.constant dense<0.000000e+00> : vector<128x128xf32>
      %dot_general3A_385 = tpu.matmul %dot_general3A_380, %dot_general3A_378, %dot_general3A_384 {dimension_numbers = #tpu.dot_dimension_numbers<[1], [0], [0], [1], [0, 0, 1, 1], [], []>, precision = #tpu.contract_precision<fp32>, transpose_lhs_hint = false} : vector<128x128xf32>, vector<128x128xf32>, vector<128x128xf32> -> vector<128x128xf32>
      %mul3A_386 = arith.constant 5.000000e-01 : f32
      %mul3A_387 = vector.broadcast %mul3A_386 : f32 to vector<128x128xf32>
      %mul3A_388 = arith.mulf %mul3A_387, %dot_general3A_385 : vector<128x128xf32>
      %sub3A_389 = arith.subf %mul3A_383, %mul3A_388 : vector<128x128xf32>
      %dot_general3A_390 = arith.constant dense<0.000000e+00> : vector<128x128xf32>
      %dot_general3A_391 = tpu.matmul %dot_general3A_378, %sub3A_389, %dot_general3A_390 {dimension_numbers = #tpu.dot_dimension_numbers<[1], [0], [0], [1], [0, 0, 1, 1], [], []>, precision = #tpu.contract_precision<fp32>, transpose_lhs_hint = false} : vector<128x128xf32>, vector<128x128xf32>, vector<128x128xf32> -> vector<128x128xf32>
      %dot_general3A_392 = arith.constant dense<0.000000e+00> : vector<128x128xf32>
      %dot_general3A_393 = tpu.matmul %sub3A_389, %dot_general3A_380, %dot_general3A_392 {dimension_numbers = #tpu.dot_dimension_numbers<[1], [0], [0], [1], [0, 0, 1, 1], [], []>, precision = #tpu.contract_precision<fp32>, transpose_lhs_hint = false} : vector<128x128xf32>, vector<128x128xf32>, vector<128x128xf32> -> vector<128x128xf32>
      %mul3A_394 = arith.constant 1.500000e+00 : f32
      %mul3A_395 = vector.broadcast %mul3A_394 : f32 to vector<128x128xf32>
      %mul3A_396 = arith.mulf %mul3A_395, %convert_element_type3A_280 : vector<128x128xf32>
      %dot_general3A_397 = arith.constant dense<0.000000e+00> : vector<128x128xf32>
      %dot_general3A_398 = tpu.matmul %dot_general3A_393, %dot_general3A_391, %dot_general3A_397 {dimension_numbers = #tpu.dot_dimension_numbers<[1], [0], [0], [1], [0, 0, 1, 1], [], []>, precision = #tpu.contract_precision<fp32>, transpose_lhs_hint = false} : vector<128x128xf32>, vector<128x128xf32>, vector<128x128xf32> -> vector<128x128xf32>
      %mul3A_399 = arith.constant 5.000000e-01 : f32
      %mul3A_400 = vector.broadcast %mul3A_399 : f32 to vector<128x128xf32>
      %mul3A_401 = arith.mulf %mul3A_400, %dot_general3A_398 : vector<128x128xf32>
      %sub3A_402 = arith.subf %mul3A_396, %mul3A_401 : vector<128x128xf32>
      %dot_general3A_403 = arith.constant dense<0.000000e+00> : vector<128x128xf32>
      %dot_general3A_404 = tpu.matmul %dot_general3A_391, %sub3A_402, %dot_general3A_403 {dimension_numbers = #tpu.dot_dimension_numbers<[1], [0], [0], [1], [0, 0, 1, 1], [], []>, precision = #tpu.contract_precision<fp32>, transpose_lhs_hint = false} : vector<128x128xf32>, vector<128x128xf32>, vector<128x128xf32> -> vector<128x128xf32>
      %dot_general3A_405 = arith.constant dense<0.000000e+00> : vector<128x128xf32>
      %dot_general3A_406 = tpu.matmul %sub3A_402, %dot_general3A_393, %dot_general3A_405 {dimension_numbers = #tpu.dot_dimension_numbers<[1], [0], [0], [1], [0, 0, 1, 1], [], []>, precision = #tpu.contract_precision<fp32>, transpose_lhs_hint = false} : vector<128x128xf32>, vector<128x128xf32>, vector<128x128xf32> -> vector<128x128xf32>
      %mul3A_407 = arith.constant 1.500000e+00 : f32
      %mul3A_408 = vector.broadcast %mul3A_407 : f32 to vector<128x128xf32>
      %mul3A_409 = arith.mulf %mul3A_408, %convert_element_type3A_280 : vector<128x128xf32>
      %dot_general3A_410 = arith.constant dense<0.000000e+00> : vector<128x128xf32>
      %dot_general3A_411 = tpu.matmul %dot_general3A_406, %dot_general3A_404, %dot_general3A_410 {dimension_numbers = #tpu.dot_dimension_numbers<[1], [0], [0], [1], [0, 0, 1, 1], [], []>, precision = #tpu.contract_precision<fp32>, transpose_lhs_hint = false} : vector<128x128xf32>, vector<128x128xf32>, vector<128x128xf32> -> vector<128x128xf32>
      %mul3A_412 = arith.constant 5.000000e-01 : f32
      %mul3A_413 = vector.broadcast %mul3A_412 : f32 to vector<128x128xf32>
      %mul3A_414 = arith.mulf %mul3A_413, %dot_general3A_411 : vector<128x128xf32>
      %sub3A_415 = arith.subf %mul3A_409, %mul3A_414 : vector<128x128xf32>
      %dot_general3A_416 = arith.constant dense<0.000000e+00> : vector<128x128xf32>
      %dot_general3A_417 = tpu.matmul %dot_general3A_404, %sub3A_415, %dot_general3A_416 {dimension_numbers = #tpu.dot_dimension_numbers<[1], [0], [0], [1], [0, 0, 1, 1], [], []>, precision = #tpu.contract_precision<fp32>, transpose_lhs_hint = false} : vector<128x128xf32>, vector<128x128xf32>, vector<128x128xf32> -> vector<128x128xf32>
      %dot_general3A_418 = arith.constant dense<0.000000e+00> : vector<128x128xf32>
      %dot_general3A_419 = tpu.matmul %sub3A_415, %dot_general3A_406, %dot_general3A_418 {dimension_numbers = #tpu.dot_dimension_numbers<[1], [0], [0], [1], [0, 0, 1, 1], [], []>, precision = #tpu.contract_precision<fp32>, transpose_lhs_hint = false} : vector<128x128xf32>, vector<128x128xf32>, vector<128x128xf32> -> vector<128x128xf32>
      %mul3A_420 = arith.constant 1.500000e+00 : f32
      %mul3A_421 = vector.broadcast %mul3A_420 : f32 to vector<128x128xf32>
      %mul3A_422 = arith.mulf %mul3A_421, %convert_element_type3A_280 : vector<128x128xf32>
      %dot_general3A_423 = arith.constant dense<0.000000e+00> : vector<128x128xf32>
      %dot_general3A_424 = tpu.matmul %dot_general3A_419, %dot_general3A_417, %dot_general3A_423 {dimension_numbers = #tpu.dot_dimension_numbers<[1], [0], [0], [1], [0, 0, 1, 1], [], []>, precision = #tpu.contract_precision<fp32>, transpose_lhs_hint = false} : vector<128x128xf32>, vector<128x128xf32>, vector<128x128xf32> -> vector<128x128xf32>
      %mul3A_425 = arith.constant 5.000000e-01 : f32
      %mul3A_426 = vector.broadcast %mul3A_425 : f32 to vector<128x128xf32>
      %mul3A_427 = arith.mulf %mul3A_426, %dot_general3A_424 : vector<128x128xf32>
      %sub3A_428 = arith.subf %mul3A_422, %mul3A_427 : vector<128x128xf32>
      %dot_general3A_429 = arith.constant dense<0.000000e+00> : vector<128x128xf32>
      %dot_general3A_430 = tpu.matmul %dot_general3A_417, %sub3A_428, %dot_general3A_429 {dimension_numbers = #tpu.dot_dimension_numbers<[1], [0], [0], [1], [0, 0, 1, 1], [], []>, precision = #tpu.contract_precision<fp32>, transpose_lhs_hint = false} : vector<128x128xf32>, vector<128x128xf32>, vector<128x128xf32> -> vector<128x128xf32>
      %dot_general3A_431 = arith.constant dense<0.000000e+00> : vector<128x128xf32>
      %dot_general3A_432 = tpu.matmul %sub3A_428, %dot_general3A_419, %dot_general3A_431 {dimension_numbers = #tpu.dot_dimension_numbers<[1], [0], [0], [1], [0, 0, 1, 1], [], []>, precision = #tpu.contract_precision<fp32>, transpose_lhs_hint = false} : vector<128x128xf32>, vector<128x128xf32>, vector<128x128xf32> -> vector<128x128xf32>
      %mul3A_433 = arith.constant 1.500000e+00 : f32
      %mul3A_434 = vector.broadcast %mul3A_433 : f32 to vector<128x128xf32>
      %mul3A_435 = arith.mulf %mul3A_434, %convert_element_type3A_280 : vector<128x128xf32>
      %dot_general3A_436 = arith.constant dense<0.000000e+00> : vector<128x128xf32>
      %dot_general3A_437 = tpu.matmul %dot_general3A_432, %dot_general3A_430, %dot_general3A_436 {dimension_numbers = #tpu.dot_dimension_numbers<[1], [0], [0], [1], [0, 0, 1, 1], [], []>, precision = #tpu.contract_precision<fp32>, transpose_lhs_hint = false} : vector<128x128xf32>, vector<128x128xf32>, vector<128x128xf32> -> vector<128x128xf32>
      %mul3A_438 = arith.constant 5.000000e-01 : f32
      %mul3A_439 = vector.broadcast %mul3A_438 : f32 to vector<128x128xf32>
      %mul3A_440 = arith.mulf %mul3A_439, %dot_general3A_437 : vector<128x128xf32>
      %sub3A_441 = arith.subf %mul3A_435, %mul3A_440 : vector<128x128xf32>
      %dot_general3A_442 = arith.constant dense<0.000000e+00> : vector<128x128xf32>
      %dot_general3A_443 = tpu.matmul %dot_general3A_430, %sub3A_441, %dot_general3A_442 {dimension_numbers = #tpu.dot_dimension_numbers<[1], [0], [0], [1], [0, 0, 1, 1], [], []>, precision = #tpu.contract_precision<fp32>, transpose_lhs_hint = false} : vector<128x128xf32>, vector<128x128xf32>, vector<128x128xf32> -> vector<128x128xf32>
      %dot_general3A_444 = arith.constant dense<0.000000e+00> : vector<128x128xf32>
      %dot_general3A_445 = tpu.matmul %sub3A_441, %dot_general3A_432, %dot_general3A_444 {dimension_numbers = #tpu.dot_dimension_numbers<[1], [0], [0], [1], [0, 0, 1, 1], [], []>, precision = #tpu.contract_precision<fp32>, transpose_lhs_hint = false} : vector<128x128xf32>, vector<128x128xf32>, vector<128x128xf32> -> vector<128x128xf32>
      %mul3A_446 = arith.constant 1.500000e+00 : f32
      %mul3A_447 = vector.broadcast %mul3A_446 : f32 to vector<128x128xf32>
      %mul3A_448 = arith.mulf %mul3A_447, %convert_element_type3A_280 : vector<128x128xf32>
      %dot_general3A_449 = arith.constant dense<0.000000e+00> : vector<128x128xf32>
      %dot_general3A_450 = tpu.matmul %dot_general3A_445, %dot_general3A_443, %dot_general3A_449 {dimension_numbers = #tpu.dot_dimension_numbers<[1], [0], [0], [1], [0, 0, 1, 1], [], []>, precision = #tpu.contract_precision<fp32>, transpose_lhs_hint = false} : vector<128x128xf32>, vector<128x128xf32>, vector<128x128xf32> -> vector<128x128xf32>
      %mul3A_451 = arith.constant 5.000000e-01 : f32
      %mul3A_452 = vector.broadcast %mul3A_451 : f32 to vector<128x128xf32>
      %mul3A_453 = arith.mulf %mul3A_452, %dot_general3A_450 : vector<128x128xf32>
      %sub3A_454 = arith.subf %mul3A_448, %mul3A_453 : vector<128x128xf32>
      %dot_general3A_455 = arith.constant dense<0.000000e+00> : vector<128x128xf32>
      %dot_general3A_456 = tpu.matmul %dot_general3A_443, %sub3A_454, %dot_general3A_455 {dimension_numbers = #tpu.dot_dimension_numbers<[1], [0], [0], [1], [0, 0, 1, 1], [], []>, precision = #tpu.contract_precision<fp32>, transpose_lhs_hint = false} : vector<128x128xf32>, vector<128x128xf32>, vector<128x128xf32> -> vector<128x128xf32>
      %dot_general3A_457 = arith.constant dense<0.000000e+00> : vector<128x128xf32>
      %dot_general3A_458 = tpu.matmul %sub3A_454, %dot_general3A_445, %dot_general3A_457 {dimension_numbers = #tpu.dot_dimension_numbers<[1], [0], [0], [1], [0, 0, 1, 1], [], []>, precision = #tpu.contract_precision<fp32>, transpose_lhs_hint = false} : vector<128x128xf32>, vector<128x128xf32>, vector<128x128xf32> -> vector<128x128xf32>
      %mul3A_459 = arith.constant 1.500000e+00 : f32
      %mul3A_460 = vector.broadcast %mul3A_459 : f32 to vector<128x128xf32>
      %mul3A_461 = arith.mulf %mul3A_460, %convert_element_type3A_280 : vector<128x128xf32>
      %dot_general3A_462 = arith.constant dense<0.000000e+00> : vector<128x128xf32>
      %dot_general3A_463 = tpu.matmul %dot_general3A_458, %dot_general3A_456, %dot_general3A_462 {dimension_numbers = #tpu.dot_dimension_numbers<[1], [0], [0], [1], [0, 0, 1, 1], [], []>, precision = #tpu.contract_precision<fp32>, transpose_lhs_hint = false} : vector<128x128xf32>, vector<128x128xf32>, vector<128x128xf32> -> vector<128x128xf32>
      %mul3A_464 = arith.constant 5.000000e-01 : f32
      %mul3A_465 = vector.broadcast %mul3A_464 : f32 to vector<128x128xf32>
      %mul3A_466 = arith.mulf %mul3A_465, %dot_general3A_463 : vector<128x128xf32>
      %sub3A_467 = arith.subf %mul3A_461, %mul3A_466 : vector<128x128xf32>
      %dot_general3A_468 = arith.constant dense<0.000000e+00> : vector<128x128xf32>
      %dot_general3A_469 = tpu.matmul %dot_general3A_456, %sub3A_467, %dot_general3A_468 {dimension_numbers = #tpu.dot_dimension_numbers<[1], [0], [0], [1], [0, 0, 1, 1], [], []>, precision = #tpu.contract_precision<fp32>, transpose_lhs_hint = false} : vector<128x128xf32>, vector<128x128xf32>, vector<128x128xf32> -> vector<128x128xf32>
      %dot_general3A_470 = arith.constant dense<0.000000e+00> : vector<128x128xf32>
      %dot_general3A_471 = tpu.matmul %sub3A_467, %dot_general3A_458, %dot_general3A_470 {dimension_numbers = #tpu.dot_dimension_numbers<[1], [0], [0], [1], [0, 0, 1, 1], [], []>, precision = #tpu.contract_precision<fp32>, transpose_lhs_hint = false} : vector<128x128xf32>, vector<128x128xf32>, vector<128x128xf32> -> vector<128x128xf32>
      %mul3A_472 = arith.constant 1.500000e+00 : f32
      %mul3A_473 = vector.broadcast %mul3A_472 : f32 to vector<128x128xf32>
      %mul3A_474 = arith.mulf %mul3A_473, %convert_element_type3A_280 : vector<128x128xf32>
      %dot_general3A_475 = arith.constant dense<0.000000e+00> : vector<128x128xf32>
      %dot_general3A_476 = tpu.matmul %dot_general3A_471, %dot_general3A_469, %dot_general3A_475 {dimension_numbers = #tpu.dot_dimension_numbers<[1], [0], [0], [1], [0, 0, 1, 1], [], []>, precision = #tpu.contract_precision<fp32>, transpose_lhs_hint = false} : vector<128x128xf32>, vector<128x128xf32>, vector<128x128xf32> -> vector<128x128xf32>
      %mul3A_477 = arith.constant 5.000000e-01 : f32
      %mul3A_478 = vector.broadcast %mul3A_477 : f32 to vector<128x128xf32>
      %mul3A_479 = arith.mulf %mul3A_478, %dot_general3A_476 : vector<128x128xf32>
      %sub3A_480 = arith.subf %mul3A_474, %mul3A_479 : vector<128x128xf32>
      %dot_general3A_481 = arith.constant dense<0.000000e+00> : vector<128x128xf32>
      %dot_general3A_482 = tpu.matmul %dot_general3A_469, %sub3A_480, %dot_general3A_481 {dimension_numbers = #tpu.dot_dimension_numbers<[1], [0], [0], [1], [0, 0, 1, 1], [], []>, precision = #tpu.contract_precision<fp32>, transpose_lhs_hint = false} : vector<128x128xf32>, vector<128x128xf32>, vector<128x128xf32> -> vector<128x128xf32>
      %sqrt3A_483 = math.sqrt %sqrt3A : f32
      %mul3A_484 = arith.mulf %dot_general3A_482, %convert_element_type3A_280 : vector<128x128xf32>
      %reduce_sum3A_485 = vector.shape_cast %mul3A_484 : vector<128x128xf32> to vector<1x128x128xf32>
      %reduce_sum3A_486 = arith.constant dense<0.000000e+00> : vector<1xf32>
      %reduce_sum3A_487 = vector.multi_reduction <add>, %reduce_sum3A_485, %reduce_sum3A_486 [1, 2] : vector<1x128x128xf32> to vector<1xf32>
      %reduce_sum3A_488 = vector.shape_cast %reduce_sum3A_487 : vector<1xf32> to vector<1x1x1xf32>
      %reduce_sum3A_489 = vector.extract %reduce_sum3A_488[0, 0, 0] : f32 from vector<1x1x1xf32>
      %mul3A_490 = arith.mulf %sqrt3A_483, %reduce_sum3A_489 : f32
      %div3A_491 = arith.constant 2.000000e+00 : f32
      %div3A_492 = arith.divf %mul3A_490, %div3A_491 : f32
      %broadcast_in_dim3A_493 = vector.broadcast %div3A_492 : f32 to vector<1x1xf32>
      %swap3A = arith.constant 0 : index
      %swap3A_494 = arith.constant 0 : index
      %swap3A_495 = vector.load %arg6[%swap3A, %swap3A_494] : memref<1x1xf32, #tpu.memory_space<vmem>>, vector<1x1xf32>
      tpu.vector_store %arg6[%swap3A, %swap3A_494], %broadcast_in_dim3A_493 {strides = array<i32>} : memref<1x1xf32, #tpu.memory_space<vmem>>, vector<1x1xf32>,
    } else {
    }
    return
  }
  func.func @transform_0(%arg0: i32, %arg1: i32) -> (i32, i32, i32) {
    %c0_i32 = arith.constant 0 : i32
    %c0_i32_0 = arith.constant 0 : i32
    return %arg0, %arg1, %c0_i32 : i32, i32, i32
  }
  func.func @transform_1(%arg0: i32, %arg1: i32) -> (i32, i32, i32) {
    %c0_i32 = arith.constant 0 : i32
    %c0_i32_0 = arith.constant 0 : i32
    %c0_i32_1 = arith.constant 0 : i32
    return %arg0, %c0_i32, %c0_i32_0 : i32, i32, i32
  }
  func.func @transform_2(%arg0: i32, %arg1: i32) -> (i32, i32, i32) {
    %eq3A = arith.constant 0 : i32
    %eq3A_0 = arith.cmpi eq, %arg1, %eq3A : i32
    %eq3A_1 = arith.constant 9 : i32
    %eq3A_2 = arith.cmpi eq, %arg1, %eq3A_1 : i32
    %jit3A = arith.constant 2 : i32
    %jit3A_3 = arith.constant 1 : i32
    %select_n3A = arith.select %eq3A_2, %jit3A, %jit3A_3 : i32
    %jit3A_4 = arith.constant 0 : i32
    %select_n3A_5 = arith.select %eq3A_0, %jit3A_4, %select_n3A : i32
    %c0_i32 = arith.constant 0 : i32
    %c0_i32_6 = arith.constant 0 : i32
    %c0_i32_7 = arith.constant 0 : i32
    return %select_n3A_5, %c0_i32, %c0_i32_6 : i32, i32, i32
  }
  func.func @transform_3(%arg0: i32, %arg1: i32) -> (i32, i32, i32) {
    %c0_i32 = arith.constant 0 : i32
    %c0_i32_0 = arith.constant 0 : i32
    %c0_i32_1 = arith.constant 0 : i32
    %c0_i32_2 = arith.constant 0 : i32
    return %c0_i32, %c0_i32_0, %c0_i32_1 : i32, i32, i32
  }
  func.func @transform_4(%arg0: i32, %arg1: i32) -> (i32, i32) {
    %c0_i32 = arith.constant 0 : i32
    %c0_i32_0 = arith.constant 0 : i32
    %c0_i32_1 = arith.constant 0 : i32
    return %c0_i32, %c0_i32_0 : i32, i32
  }
}

</mosaic_0001>

<sc_bundles>
// kernel: kernel.5.cloned.1.call-start
scs
__scs_entry_jumppad:
0x0: {  	(pc) =	sbr.rel $0x88, $3  }
0x1: {  	(tag) =	ssettag $0x0;
	lr =	simm.s32 $0x1  }
0x2: {  	[smem:$0x3F9F] =	sst lr;
	_ =	strace $0xD0000000  }
0x3: {  	_ = 	snop  }
0x4: {  	_ = 	snop  }
0x5: {  	_ = 	snop  }
0x6: {  	_ = 	snop  }
0x7: {  	_ = 	snop  }
__scs_overlays_trampoline_lowered:
0x8: {  	[smem:$0x3FAE] =	sst s0  }
0x9: {  	[smem:$0x3FAF] =	sst s1  }
0xa: {  	[smem:$0x3FB0] =	sst s2  }
0xb: {  	[smem:$0x3FB1] =	sst s3  }
0xc: {  	[smem:$0x3FB2] =	sst s4  }
0xd: {  	[smem:$0x3FB3] =	sst s5  }
0xe: {  	[smem:$0x3FB4] =	sst s6  }
0xf: {  	[smem:$0x3FB5] =	sst s7  }
0x10: {  	[smem:$0x3FB6] =	sst s8  }
0x11: {  	[smem:$0x3FB7] =	sst s9;
	s0 =	simm.s32 @!p0 $0x0  }
0x12: {  	s1 =	sld [smem:$0x3F9D];
	s0 =	simm.s32 @p0 $0x1  }
0x13: {  	[smem:$0x3FB8] =	sst s0;
	s0 =	simm.s32 @!p1 $0x0  }
0x14: {  	s2 =	sld [smem:$0x3F9C];
	s0 =	simm.s32 @p1 $0x1  }
0x15: {  	[smem:$0x3FB9] =	sst s0;
	s0 =	simm.s32 @!p2 $0x0  }
0x16: {  	s3 =	sld [smem:$0x3FDB];
	s0 =	simm.s32 @p2 $0x1  }
0x17: {  	s4 =	simm.s32 $0x1BF5;
	[smem:$0x3FBB] =	sst s0  }
0x18: {  	s0 =	sld [smem:$0x3F9E];
	_ =	swait.ge [sflag:s4], $0x0  }
0x19: {  	s7 =	sld [smem:$0x3F9F]  }
0x1a: {  	s8 =	sadd.s32 $0xFFFFE003, lr  }
0x1b: {  	s9 =	sadd.s32 $0xFFFFFEF7, lr;
	s5 =	simm.s32 $0xFFFFFFFF;
	p2 =	slt.u32 s8, $0xFFFFF086  }
0x1c: {  	p1 =	slt.u32 s9, $0xF7A;
	s5 =	simm.s32 @!p2 $0x0  }
0x1d: {  	s5 =	simm.s32 @p1 $0x1;
	p0 =	seq.s32 s7, s2  }
0x1e: {  	s7 =	smul.u32 @!p0 $0xF7A, s2;
	p2 =	seq.s32 @!p0 s5, $0x0  }
0x1f: {  	s9 =	smul.u32 $0xF7A, s1;
	s8 =	simm.s32 @!p0 $0x1BF5;
	p2 =	por !p2, p0  }
0x20: {  	[sflag:s8] =	ssyncset.s32 @!p0 $0xFFFFF086;
	s6 =	sadd.s32 @!p0 s3, s7;
	s7 =	simm.s32 @!p0 $0x108  }
0x21: {  	s3 =	sadd.s32 s3, s9;
	s6 =	sadd.s32 @!p0 $0x88, s6;
	s7 =	simm.s32 @p2 $0x1082  }
0x22: {  	[simem:s7], [sflag:s8] =	dma.local @!p0 [hbm:s6], $0xF7A  }
0x23: {  	s9 =	sor.u32 $0xD0000000, s2;
	s6 =	simm.s32 $0x108;
	_ =	swait.ge @!p0 [sflag:s8], $0x0  }
0x24: {  	s3 =	sadd.s32 $0x88, s3;
	s6 =	simm.s32 @!p1 $0x1082;
	[sflag:s4] =	ssyncset.s32 $0xFFFFF086  }
0x25: {  	[simem:s6], [sflag:s4] =	dma.local [hbm:s3], $0xF7A  }
0x26: {  	[smem:$0x3F9F] =	sst s1;
	(tag) =	ssettag s2;
	_ =	strace s9  }
0x27: {  	s1 =	sld [smem:$0x3FAF]  }
0x28: {  	s2 =	sld [smem:$0x3FB0]  }
0x29: {  	s4 =	sld [smem:$0x3FB2]  }
0x2a: {  	p0 =	seq.s32 s5, $0x0;
	s5 =	sld [smem:$0x3FB3]  }
0x2b: {  	s6 =	sld [smem:$0x3FB4]  }
0x2c: {  	s7 =	sld [smem:$0x3FB5]  }
0x2d: {  	s3 =	simm.s32 $0x108;
	s8 =	sld [smem:$0x3FB6]  }
0x2e: {  	s3 =	simm.s32 @!p0 $0x1082;
	s9 =	sld [smem:$0x3FB7]  }
0x2f: {  	lr =	sadd.s32 s0, s3;
	s0 =	sld [smem:$0x3FAE]  }
0x30: {  	s3 =	sld [smem:$0x3FB1]  }
0x31: {  	[smem:$0x3FBA] =	sst s10  }
0x32: {  	s10 =	sld [smem:$0x3FB8];
	_ =	sdelay $0x3  }
0x33: {  	p0 =	seq.s32 s10, $0x1;
	s10 =	sld [smem:$0x3FBA];
	_ =	sdelay $0x3  }
0x34: {  	[smem:$0x3FBA] =	sst s10  }
0x35: {  	s10 =	sld [smem:$0x3FB9];
	_ =	sdelay $0x3  }
0x36: {  	p1 =	seq.s32 s10, $0x1;
	s10 =	sld [smem:$0x3FBA];
	_ =	sdelay $0x3  }
0x37: {  	[smem:$0x3FBA] =	sst s10  }
0x38: {  	s10 =	sld [smem:$0x3FBB]  }
0x39: {  	_ = 	snop;
	(pc) =	sbr.ind lr, $3  }
0x3a: {  	_ = 	snop  }
0x3b: {  	_ = 	snop  }
0x3c: {  	p2 =	seq.s32 s10, $0x1;
	s10 =	sld [smem:$0x3FBA]  }
0x3d: {  	_ =	shalt  }
0x3e: {  	_ =	shalt  }
0x3f: {  	_ =	shalt  }
0x40: {  	_ =	shalt  }
0x41: {  	_ =	shalt  }
0x42: {  	_ =	shalt  }
0x43: {  	_ =	shalt  }
0x44: {  	_ =	shalt  }
0x45: {  	_ =	shalt  }
0x46: {  	_ =	shalt  }
0x47: {  	_ =	shalt  }
0x48: {  	_ =	shalt  }
0x49: {  	_ =	shalt  }
0x4a: {  	_ =	shalt  }
0x4b: {  	_ =	shalt  }
0x4c: {  	_ =	shalt  }
0x4d: {  	_ =	shalt  }
0x4e: {  	_ =	shalt  }
0x4f: {  	_ =	shalt  }
0x50: {  	_ =	shalt  }
0x51: {  	_ =	shalt  }
0x52: {  	_ =	shalt  }
0x53: {  	_ =	shalt  }
0x54: {  	_ =	shalt  }
0x55: {  	_ =	shalt  }
0x56: {  	_ =	shalt  }
0x57: {  	_ =	shalt  }
0x58: {  	_ =	shalt  }
0x59: {  	_ =	shalt  }
0x5a: {  	_ =	shalt  }
0x5b: {  	_ =	shalt  }
0x5c: {  	_ =	shalt  }
0x5d: {  	_ =	shalt  }
0x5e: {  	_ =	shalt  }
0x5f: {  	_ =	shalt  }
0x60: {  	_ =	shalt  }
0x61: {  	_ =	shalt  }
0x62: {  	_ =	shalt  }
0x63: {  	_ =	shalt  }
0x64: {  	_ =	shalt  }
0x65: {  	_ =	shalt  }
0x66: {  	_ =	shalt  }
0x67: {  	_ =	shalt  }
0x68: {  	_ =	shalt  }
0x69: {  	_ =	shalt  }
0x6a: {  	_ =	shalt  }
0x6b: {  	_ =	shalt  }
0x6c: {  	_ =	shalt  }
0x6d: {  	_ =	shalt  }
0x6e: {  	_ =	shalt  }
0x6f: {  	_ =	shalt  }
0x70: {  	_ =	shalt  }
0x71: {  	_ =	shalt  }
0x72: {  	_ =	shalt  }
0x73: {  	_ =	shalt  }
0x74: {  	_ =	shalt  }
0x75: {  	_ =	shalt  }
0x76: {  	_ =	shalt  }
0x77: {  	_ =	shalt  }
0x78: {  	_ =	shalt  }
0x79: {  	_ =	shalt  }
0x7a: {  	_ =	shalt  }
0x7b: {  	_ =	shalt  }
0x7c: {  	_ =	shalt  }
0x7d: {  	_ =	shalt  }
0x7e: {  	_ =	shalt  }
0x7f: {  	_ =	shalt  }
0x80: {  	_ =	shalt  }
0x81: {  	_ =	shalt  }
0x82: {  	_ =	shalt  }
0x83: {  	_ =	shalt  }
0x84: {  	_ =	shalt  }
0x85: {  	_ =	shalt  }
0x86: {  	_ =	shalt  }
0x87: {  	_ =	shalt  }
.Lfunc_end0:
.L_simem_size_0:
called_computation_lowered:
.L_overlay_start_0:
0x88: {  	s2 =	sld [smem:$0x3FD9]  }
0x89: {  	s3 =	sld [smem:$0x3FFE];
	_ =	sdelay $0x1  }
0x8a: {  	s1 =	srdreg.scid  }
0x8b: {  	s0 =	sand.u32 $0x1, s1  }
0x8c: {  	s16 =	sshll.u32 s0, $0xA;
	s2 =	sadd.s32 s3, s2  }
0x8d: {  	s2 =	sadd.s32 s2, s16  }
0x8e: {  	[smem:$0x3FC6] =	sst s2  }
0x8f: {  	_ = 	snop  }
0x90: {  	(tm) =	ssettm $0x1  }
0x91: {  	s17 =	sld [smem:$0x3FFB];
	_ =	sdelay $0x3  }
0x92: {  	_ =	strace s17  }
0x93: {  	s2 =	sld [smem:$0x3FFC];
	_ =	sdelay $0x3  }
0x94: {  	_ =	strace s2  }
0x95: {  	s2 =	sld [smem:$0x3FFD];
	_ =	sdelay $0x3  }
0x96: {  	_ =	strace s2  }
0x97: {  	_ =	strace $0x8FFFFFFF  }
0x98: {  	s18 =	sld [smem:$0x3FDB];
	_ =	sdelay $0x1  }
0x99: {  	s19 =	simm.s32 $_scs_section_size  }
0x9a: {  	s4 =	simm.s32 $_size__tile_overlayer_lowered;
	s5 =	simm.s32 $_tile_overlayer_lowered  }
0x9b: {  	s22 =	simm.s32 $0x1BFF;
	s21 =	sshll.u32 s5, $0x1;
	s2 =	sadd.s32 s19, s18  }
0x9c: {  	s6 =	simm.s32 $0x0;
	s20 =	sshll.u32 s4, $0x1;
	s4 =	sadd.s32 s21, s2  }
0x9d: {  	[timem:s6], [sflag:s22] =	dma.local [hbm:s4], s20  }
0x9e: {  	_ =	swait.ge [sflag:s22], s20  }
0x9f: {  	s3 =	ssub.s32 $0x0, s20;
	[sflag:s22] =	ssyncset.done $0x0  }
0xa0: {  	[sflag:s22] =	ssyncadd.s32 s3;
	_ =	sdelay $0x1  }
0xa1: {  	s23 =	simm.s32 $0x1B8B  }
0xa2: {  	_ =	swait.ge [sflag:s23], $0x1  }
0xa3: {  	[sflag:s23] =	ssyncset.done $0x0  }
0xa4: {  	s25 =	simm.s32 $0x1B8E;
	s24 =	sld [smem:$0x3FFE];
	[sflag:s23] =	ssyncadd.s32 $0xFFFFFFFF  }
0xa5: {  	s26 =	simm.s32 $execute0_lowered;
	[smem:$0x3FD2] =	sst s25  }
0xa6: {  	s4 =	sshll.u32 s26, $0x1;
	_ =	strace $0x80000046;
	[dreg:$0x1] =	wrdreg $0xFFFFFFFF  }
0xa7: {  	s28 =	simm.s32 $_size_execute0_lowered;
	s2 =	sadd.s32 s2, s4;
	[dreg:$0x0] =	wrdreg $0x0  }
0xa8: {  	s4 =	sshll.u32 s28, $0x1;
	[dreg:$0x2] =	wrdreg s2  }
0xa9: {  	[dreg:$0x3] =	wrdreg s4  }
0xaa: {  	[dreg:$0x4] =	wrdreg $0xC0  }
0xab: {  	_ =	task [dreg:s6], $0x5FFFF  }
0xac: {  	[dreg:$0x1] =	wrdreg $0xFFFFFFFF  }
0xad: {  	[dreg:$0x0] =	wrdreg $0x60  }
0xae: {  	[dreg:$0x2] =	wrdreg s24  }
0xaf: {  	[dreg:$0x3] =	wrdreg $0x9  }
0xb0: {  	_ =	task.clear_ibuf [dreg:s6], $0x4FFFF;
	_ =	strace $0x90000046  }
0xb1: {  	s29 =	simm.s32 $0x9;
	_ =	strace $0x80000048  }
0xb2: {  	_ =	swait.ge [sflag:s29], $0x1  }
0xb3: {  	[sflag:s29] =	ssyncadd.s32 $0xFFFFFFFF  }
0xb4: {  	_ =	strace $0x90000048  }
0xb5: {  	_ =	sfence  }
0xb6: {  	s30 =	sld [smem:$0x0];
	_ =	sdelay $0x2  }
0xb7: {  	s31 =	sshll.u32 s1, $0xD;
	s1 =	sshrl.u32 s1, $0x2  }
0xb8: {  	s3 =	sand.u32 $0x4000, s31;
	s1 =	sadd.s32 s1, s30  }
0xb9: {  	s0 =	sor.u32 s3, s0;
	s1 =	sshll.u32 s1, $0x11  }
0xba: {  	s0 =	sor.u32 s1, s0  }
0xbb: {  	s0 =	sadd.s32 $0x8F2B, s0  }
0xbc: {  	[sflag:s0] =	ssyncadd.remote.s32 $0x1  }
0xbd: {  	_ =	sfence.sel $0xFFFF  }
0xbe: {  	[dreg:$0x0] =	wrdreg $0xFFFFFFFF;
	(pc) =	sbr.abs _section_cstart, $3  }
0xbf: {  	[dreg:$0x1] =	wrdreg $0xFFFFFFFF  }
0xc0: {  	_ =	task.clear_ibuf [dreg:s6], $0x2FFFF;
	_ =	strace $0x9FFFFFFF  }
0xc1: {  	(tm) =	ssettm $0x7FFFFFFF  }
tec
execute0_lowered:
.L_overlay_start_1:
0x0: {  	(tag) =	ssettag $0x1  }
0x1: {  	s1 =	srdreg.scid;
	s0 =	stileid.u32  }
0x2: {  	s6 =	rddreg [dreg:$0x0];
	s4 =	sand.u32 $0x1, s1;
	s30 =	sshll.u32 s0, $0x1  }
0x3: {  	s3 =	simm.s32 $0x0;
	s31 =	sshrl.u32 s0, $0x3;
	s5 =	sor.u32 s4, s30  }
0x4: {  	s10 =	simm.s32 $0x380;
	s7 =	smul.u32 $0x28D0, s31;
	s1 =	sand.u32 $0xF, s5  }
0x5: {  	s11 =	simm.s32 $0x700;
	s12 =	simm.s32 $0xA80;
	s2 =	smul.u32 $0x280, s1  }
0x6: {  	s13 =	simm.s32 $0x0;
	[smem:$0x7FF] =	sst s3;
	s4 =	ssub.s32 $0x2, s4  }
0x7: {  	s5 =	smul.u32 $0x870, s5;
	s8 =	sshrl.u32 s4, $0x1;
	s7 =	sadd.s32 s7, s2  }
0x8: {  	s1 =	rddreg [dreg:$0x1];
	_ =	strace $0x80000047;
	s7 =	sshrl.u32 s7, $0x3  }
0x9: {  	s8 =	ssub.s32 s4, s8;
	s9 =	sadd.s32 s5, s6;
	s7 =	sadd.s32 s7, s6  }
0xa: {  	s8 =	smax.u32 s8, $0x1;
	s4 =	sadd.s32 $0x2800, s7;
	s5 =	sadd.s32 $0x1C00, s7  }
0xb: {  	v0 =	vlaneseq.u32;
	v1 =	vimm.f32 $0.0e+00;
	s6 =	sadd.s32 $0x1000, s7;
	s7 =	sadd.s32 $0x3400, s9;
	s9 =	simm.s32 $0x1  }
.LBB2_1:
0xc: {  	[tilespmem:s3], [sflag:$0x1] =	stream.linear.gather [hbm4b:s4+s3], $0x350, $0x38;
	[tilespmem:$0x4E00] =	vst v63  }
0xd: {  	_ =	swait.ge [sflag:s9], $0x350  }
0xe: {  	[sflag:s9] =	ssyncset.done $0x0  }
0xf: {  	[sflag:s9] =	ssyncadd.s32 $0xFFFFFCB0  }
0x10: {  	[tilespmem:s10], [sflag:$0x1] =	stream.linear.gather [hbm4b:s5+s3], $0x350, $0x38;
	[tilespmem:$0x4E00] =	vst v63  }
0x11: {  	_ =	swait.ge [sflag:s9], $0x350  }
0x12: {  	[sflag:s9] =	ssyncset.done $0x0  }
0x13: {  	[sflag:s9] =	ssyncadd.s32 $0xFFFFFCB0  }
0x14: {  	[tilespmem:s11], [sflag:$0x1] =	stream.linear.gather [hbm4b:s6+s3], $0x350, $0x38;
	[tilespmem:$0x4E00] =	vst v63  }
0x15: {  	_ =	swait.ge [sflag:s9], $0x350  }
0x16: {  	[sflag:s9] =	ssyncset.done $0x0  }
0x17: {  	s16 =	simm.s32 $0x67;
	[sflag:s9] =	ssyncadd.s32 $0xFFFFFCB0  }
0x18: {  	s14 =	simm.s32 $0x767;
	v2 =	vld [tilespmem:s16+$0x0]  }
0x19: {  	v4 =	vld [tilespmem:s14+$0x2]  }
0x1a: {  	s15 =	sadd.s32 $0x0, s2;
	v6 =	vld [tilespmem:s14+$0x1]  }
0x1b: {  	v3 =	vor.u32 s15, v0;
	v7 =	vld [tilespmem:s14+$0x65]  }
0x1c: {  	v5 =	vmul.u32 $0x28F6, v3;
	v8 =	vld [tilespmem:s16+$0x2]  }
0x1d: {  	v10 =	vld [tilespmem:s14+$0x64]  }
0x1e: {  	v5 =	vshrl.u32 v5, $0x14;
	v11 =	vld [tilespmem:s16+$0x1]  }
0x1f: {  	s15 =	simm.s32 $0x3E7;
	v9 =	vmul.u32 $0xFFFFFF9C, v5;
	v12 =	vld [tilespmem:s16+$0x65]  }
0x20: {  	v13 =	vld [tilespmem:s15+$0x1]  }
0x21: {  	v9 =	vadd.s32 v3, v9;
	v14 =	vld [tilespmem:s15+$0x2]  }
0x22: {  	vm0 =	vlt.s32 v9, $0x63;
	vm3 =	vgt.s32 v9, $0x0;
	v9 =	vld [tilespmem:s15+$0x0]  }
0x23: {  	v19 =	vld [tilespmem:s16+$0x64]  }
0x24: {  	v21 =	vld [tilespmem:s15+$0x65]  }
0x25: {  	v23 =	vld [tilespmem:s14+$0x0]  }
0x26: {  	v36 =	vld [tilespmem:s16+$0xFFFFFF9D];
	v4 =	vsub.f32 v6, v4;
	v10 =	vsub.f32 v6, v10  }
0x27: {  	vm1 =	vlt.u32 v3, $0x26AC;
	v43 =	vld [tilespmem:s16+$0xFFFFFF9E];
	v12 =	vsub.f32 v11, v12;
	v22 =	vsub.f32 v11, v2  }
0x28: {  	v16 =	vsel vm1, $0x3F800000, v1;
	v7 =	vsub.f32 v6, v7;
	v14 =	vsub.f32 v13, v14  }
0x29: {  	vm2 =	vne.s32 v5, $0x0;
	v8 =	vsub.f32 v11, v8;
	v9 =	vsub.f32 v13, v9  }
0x2a: {  	v3 =	vsel vm0, $0x3F800000, v1;
	v19 =	vsub.f32 v11, v19;
	v21 =	vsub.f32 v13, v21  }
0x2b: {  	vm0 =	vmand vm2, vm0;
	v23 =	vsub.f32 v6, v23;
	v36 =	vsub.f32 v11, v36  }
0x2c: {  	v11 =	vsub.f32 v11, v43;
	v5 =	vmul.f32 v4, v3;
	v24 =	vmul.f32 v12, v16  }
0x2d: {  	v4 =	vsel vm3, $0x3F800000, v1;
	v7 =	vmul.f32 v7, v16;
	v14 =	vmul.f32 v14, v3  }
0x2e: {  	vm3 =	vmand vm1, vm3;
	v8 =	vmul.f32 v8, v3;
	v16 =	vmul.f32 v21, v16  }
0x2f: {  	v17 =	vld [tilespmem:s15+$0xFFFFFF9D];
	v21 =	vsel vm0, $0x3F800000, v1;
	v22 =	vmul.f32 v22, v4;
	v9 =	vmul.f32 v9, v4  }
0x30: {  	v18 =	vsel vm3, $0x3F800000, v1;
	v23 =	vmul.f32 v23, v4;
	v59 =	vmul.f32 v11, v21  }
0x31: {  	v2 =	vmul.f32 v10, v18;
	v25 =	vmul.f32 v24, v24  }
0x32: {  	v28 =	vmul.f32 v5, v8;
	v29 =	vmul.f32 v8, v8  }
0x33: {  	v15 =	vsel vm2, $0x3F800000, v1;
	v30 =	vmul.f32 v14, v14;
	v53 =	vmul.f32 v5, v14  }
0x34: {  	v12 =	vsub.f32 v13, v17;
	v33 =	vmul.f32 v16, v16;
	v34 =	vmul.f32 v14, v8  }
0x35: {  	v20 =	vadd.f32 $0.0e+00, v5;
	v35 =	vmul.f32 v7, v24;
	v38 =	vmul.f32 v7, v16  }
0x36: {  	v17 =	vld [tilespmem:s14+$0xFFFFFF9E];
	v27 =	vadd.f32 $0.0e+00, v14;
	v39 =	vmul.f32 v5, v5;
	v40 =	vmul.f32 v19, v18  }
0x37: {  	v31 =	vadd.f32 $0.0e+00, v8;
	v41 =	vmul.f32 v7, v7;
	v12 =	vmul.f32 v12, v15  }
0x38: {  	v4 =	vld [tilespmem:s14+$0xFFFFFF9D];
	v58 =	vmul.f32 v16, v24;
	v28 =	vsub.f32 $0.0e+00, v28;
	v32 =	vadd.f32 v30, v29  }
0x39: {  	v10 =	vld [tilespmem:s15+$0xFFFFFF9E];
	v37 =	vmul.f32 v9, v22;
	v27 =	vadd.f32 v9, v27;
	v31 =	vadd.f32 v22, v31  }
0x3a: {  	v26 =	vld [tilespmem:s15+$0x64];
	v19 =	vmul.f32 v9, v9;
	v34 =	vsub.f32 $0.0e+00, v34;
	v29 =	vadd.f32 v39, v29  }
0x3b: {  	s16 =	sand.u32 $0x3F0, s3;
	[tilespmem:s12+$0x0] =	vst v8;
	v42 =	vmul.f32 v22, v22;
	v11 =	vadd.f32 v39, v30;
	v17 =	vsub.f32 v6, v17  }
0x3c: {  	[tilespmem:s16+$0xF80] =	vst v5;
	v5 =	vmul.f32 v23, v22;
	v31 =	vadd.f32 v24, v31;
	v27 =	vadd.f32 v16, v27  }
0x3d: {  	v57 =	vmul.f32 v23, v9;
	v6 =	vsub.f32 v6, v4;
	v29 =	vadd.f32 v42, v29  }
0x3e: {  	v3 =	vmul.f32 v2, v2;
	v5 =	vsub.f32 v28, v5;
	v10 =	vsub.f32 v13, v10  }
0x3f: {  	v13 =	vsub.f32 v13, v26;
	v4 =	vmul.f32 v17, v21;
	v17 =	vadd.f32 v42, v32  }
0x40: {  	v26 =	vsub.f32 $0.0e+00, v53;
	v54 =	vmul.f32 v6, v15;
	v6 =	vsub.f32 v34, v37  }
0x41: {  	[tilespmem:s16+$0x1200] =	vst v22;
	v15 =	vmul.f32 v36, v15;
	v27 =	vadd.f32 v12, v27;
	v22 =	vsub.f32 v5, v35  }
0x42: {  	[tilespmem:s16+$0x1C00] =	vst v16;
	v55 =	vmul.f32 v12, v12;
	v17 =	vadd.f32 v19, v17;
	v16 =	vsub.f32 v26, v57  }
0x43: {  	v13 =	vmul.f32 v13, v18;
	v8 =	vadd.f32 v15, v31;
	v6 =	vsub.f32 v6, v58  }
0x44: {  	[tilespmem:s16+$0x2380] =	vst v12;
	v61 =	vmul.f32 v54, v12;
	v12 =	vmul.f32 v12, v15;
	v17 =	vadd.f32 v25, v17  }
0x45: {  	[tilespmem:s16+$0x1E80] =	vst v7;
	v18 =	vmul.f32 v23, v23;
	v27 =	vadd.f32 v13, v27;
	v8 =	vadd.f32 v40, v8  }
0x46: {  	[tilespmem:s16+$0x1480] =	vst v9;
	v10 =	vmul.f32 v10, v21;
	v6 =	vsub.f32 v6, v12;
	v17 =	vadd.f32 v33, v17  }
0x47: {  	[tilespmem:s16+$0x3000] =	vst v59;
	v60 =	vmul.f32 v15, v15;
	v62 =	vadd.f32 v59, v8;
	v8 =	vadd.f32 v19, v11  }
0x48: {  	[tilespmem:s16+$0xD00] =	vst v14;
	v56 =	vmul.f32 v13, v40;
	v11 =	vadd.f32 v23, v20;
	v19 =	vsub.f32 v16, v38  }
0x49: {  	[tilespmem:s16+$0x2100] =	vst v15;
	v15 =	vmul.f32 v54, v15;
	v9 =	vadd.f32 v60, v17;
	v17 =	vadd.f32 v18, v8  }
0x4a: {  	[tilespmem:s16+$0x1700] =	vst v23;
	v63 =	vmul.f32 v13, v13;
	v6 =	vsub.f32 v6, v56;
	v18 =	vadd.f32 v18, v29  }
0x4b: {  	[tilespmem:s16+$0x1980] =	vst v24;
	v5 =	vmul.f32 v10, v10;
	v7 =	vadd.f32 v7, v11;
	v12 =	vadd.f32 v33, v17  }
0x4c: {  	[tilespmem:s16+$0x2880] =	vst v40;
	v8 =	vmul.f32 v40, v40;
	v9 =	vadd.f32 v55, v9;
	v14 =	vadd.f32 v25, v18  }
0x4d: {  	[tilespmem:s16+$0x2D80] =	vst v2;
	v16 =	vmul.f32 v54, v54;
	v21 =	vsub.f32 v19, v61;
	v20 =	vadd.f32 v41, v12  }
0x4e: {  	[tilespmem:s16+$0x3500] =	vst v4;
	v11 =	vmul.f32 v4, v59;
	v9 =	vadd.f32 v8, v9;
	v14 =	vadd.f32 v41, v14  }
0x4f: {  	[tilespmem:s16+$0x2600] =	vst v54;
	v17 =	vmul.f32 v10, v59;
	v7 =	vadd.f32 v54, v7;
	v20 =	vadd.f32 v55, v20  }
0x50: {  	[tilespmem:s16+$0x2B00] =	vst v13;
	v12 =	vadd.f32 v63, v9;
	v19 =	vadd.f32 v60, v14;
	v14 =	vmul.f32 v2, v13  }
0x51: {  	[tilespmem:s16+$0x3280] =	vst v10;
	v18 =	vmul.f32 v4, v10;
	v13 =	vadd.f32 v16, v20;
	v20 =	vadd.f32 v10, v27  }
0x52: {  	[tilespmem:s16+$0x3780] =	vst v62;
	v9 =	vmul.f32 v59, v59;
	v14 =	vsub.f32 v21, v14;
	v10 =	vmul.f32 v4, v4  }
0x53: {  	s17 =	simm.s32 $0x10;
	s18 =	simm.s32 $0x77;
	s19 =	simm.s32 $0xA80;
	v13 =	vadd.f32 v63, v13;
	[tilespmem:s16+$0x3A00] =	vst v20;
	v20 =	vsub.f32 v22, v15;
	v15 =	vmul.f32 v2, v40  }
.LBB2_2:
0x54: {  	v16 =	vadd.f32 v16, v19;
	v12 =	vadd.f32 v9, v12;
	s19 =	sadd.s32 $0x10, s19;
	s14 =	sadd.s32 $0x10, s14;
	s15 =	sadd.s32 $0x10, s15  }
0x55: {  	p0 =	sne.s32 s17, $0x270;
	v14 =	vsub.f32 v14, v18;
	s20 =	smov.u32 s17;
	s17 =	sadd.s32 $0x10, s17;
	v15 =	vsub.f32 v20, v15  }
0x56: {  	v6 =	vsub.f32 v6, v17;
	v8 =	vadd.f32 v8, v16  }
0x57: {  	v12 =	vadd.f32 v5, v12;
	v11 =	vsub.f32 v15, v11  }
0x58: {  	v16 =	vmul.f32 v14, v6;
	v15 =	vmul.f32 v14, v14;
	v8 =	vadd.f32 v3, v8  }
0x59: {  	v2 =	vadd.f32 v2, v7;
	v3 =	vadd.f32 v3, v13;
	v7 =	vmul.f32 v12, v6  }
0x5a: {  	v8 =	vadd.f32 v9, v8;
	v9 =	vmul.f32 v11, v14  }
0x5b: {  	v2 =	vadd.f32 v4, v2;
	v4 =	vmul.f32 v11, v6;
	v3 =	vadd.f32 v5, v3  }
0x5c: {  	v5 =	vadd.f32 v10, v8;
	v8 =	vsub.f32 v7, v9  }
0x5d: {  	v3 =	vadd.f32 v10, v3;
	v7 =	vsub.f32 v9, v7;
	[tilespmem:s16+$0x3C80] =	vst v2  }
0x5e: {  	v2 =	vmul.f32 v5, v12;
	v8 =	vmul.f32 v8, v6  }
0x5f: {  	v9 =	vmul.f32 v11, v5;
	v10 =	vmul.f32 v3, v12  }
0x60: {  	v5 =	vmul.f32 v5, v3;
	v2 =	vsub.f32 v2, v15  }
0x61: {  	v12 =	vmul.f32 v14, v3  }
0x62: {  	v9 =	vsub.f32 v16, v9;
	v3 =	vmul.f32 v2, v3  }
0x63: {  	v4 =	vsub.f32 v4, v12  }
0x64: {  	v3 =	vsub.f32 v3, v8;
	v8 =	vmul.f32 v9, v11;
	_ =	sdelay $0x1  }
0x65: {  	v3 =	vadd.f32 v3, v8;
	_ =	sdelay $0x1  }
0x66: {  	(erf) = vrcp.f32 v3;
	_ =	sdelay $0x2  }
0x67: {  	v3 =	vmul.f32 v6, v6;
	_ =	sdelay $0x1  }
0x68: {  	v6 =	vmul.f32 v11, v11;
	_ =	sdelay $0x1  }
0x69: {  	v6 =	vsub.f32 v10, v6;
	_ =	sdelay $0x1  }
0x6a: {  	v8 =	vpop (erf)  }
0x6b: {  	v3 =	vsub.f32 v5, v3;
	v2 =	vmul.f32 v8, v2;
	v7 =	vmul.f32 v8, v7  }
0x6c: {  	v5 =	vmul.f32 v8, v9;
	v6 =	vmul.f32 v8, v6  }
0x6d: {  	v4 =	vmul.f32 v8, v4;
	v3 =	vmul.f32 v8, v3;
	[tilespmem:s16+$0x3F00] =	vst v2  }
0x6e: {  	[tilespmem:s16+$0x4400] =	vst v5  }
0x6f: {  	[tilespmem:s16+$0x4680] =	vst v6  }
0x70: {  	[tilespmem:s16+$0x4900] =	vst v4  }
0x71: {  	[tilespmem:s16+$0x4B80] =	vst v3  }
0x72: {  	s21 =	sadd.s32 s20, s2;
	[tilespmem:s16+$0x4180] =	vst v7  }
0x73: {  	v2 =	vor.u32 s21, v0;
	v3 =	vld [tilespmem:s18+$0x0]  }
0x74: {  	v4 =	vmul.u32 $0x28F6, v2;
	v5 =	vld [tilespmem:s14+$0x2]  }
0x75: {  	vm0 =	vlt.u32 v2, $0x26AC;
	v8 =	vld [tilespmem:s14+$0x1]  }
0x76: {  	v4 =	vshrl.u32 v4, $0x14;
	v6 =	vld [tilespmem:s14+$0x65]  }
0x77: {  	v7 =	vmul.u32 $0xFFFFFF9C, v4;
	vm1 =	vne.s32 v4, $0x0;
	v10 =	vld [tilespmem:s18+$0x2]  }
0x78: {  	v11 =	vsel vm1, $0x3F800000, v1;
	v4 =	vld [tilespmem:s14+$0x64]  }
0x79: {  	v2 =	vadd.s32 v2, v7;
	v16 =	vld [tilespmem:s18+$0x1]  }
0x7a: {  	vm2 =	vlt.s32 v2, $0x63;
	vm3 =	vgt.s32 v2, $0x0;
	v5 =	vsub.f32 v8, v5;
	v7 =	vld [tilespmem:s15+$0x0]  }
0x7b: {  	v12 =	vsel vm2, $0x3F800000, v1;
	v14 =	vsel vm3, $0x3F800000, v1;
	v2 =	vld [tilespmem:s18+$0x65]  }
0x7c: {  	vm3 =	vmand vm0, vm3;
	v15 =	vld [tilespmem:s15+$0x1];
	v5 =	vmul.f32 v5, v12  }
0x7d: {  	v17 =	vsel vm0, $0x3F800000, v1;
	v13 =	vld [tilespmem:s15+$0x2];
	v4 =	vsub.f32 v8, v4  }
0x7e: {  	v18 =	vld [tilespmem:s15+$0xFFFFFF9D]  }
0x7f: {  	vm0 =	vmand vm1, vm2;
	v19 =	vsel vm3, $0x3F800000, v1;
	v20 =	vld [tilespmem:s18+$0x64]  }
0x80: {  	v9 =	vadd.f32 $0.0e+00, v5;
	v21 =	vsub.f32 v16, v2;
	v22 =	vld [tilespmem:s15+$0x65]  }
0x81: {  	v23 =	vsub.f32 v8, v6;
	v3 =	vsub.f32 v16, v3;
	v2 =	vmul.f32 v4, v19;
	v4 =	vld [tilespmem:s15+$0xFFFFFF9E]  }
0x82: {  	v10 =	vsub.f32 v16, v10;
	v24 =	vsub.f32 v15, v13;
	v25 =	vld [tilespmem:s14+$0x0];
	v6 =	vmul.f32 v21, v17  }
0x83: {  	v21 =	vsub.f32 v15, v7;
	v13 =	vmul.f32 v23, v17;
	v18 =	vsub.f32 v15, v18;
	v23 =	vld [tilespmem:s14+$0xFFFFFF9E]  }
0x84: {  	v24 =	vmul.f32 v24, v12;
	v7 =	vmul.f32 v6, v6;
	v20 =	vsub.f32 v16, v20;
	v26 =	vld [tilespmem:s15+$0x64]  }
0x85: {  	v27 =	vmul.f32 v10, v12;
	v12 =	vmul.f32 v3, v14;
	v10 =	vsub.f32 v15, v22  }
0x86: {  	v3 =	vmul.f32 v2, v2;
	v22 =	vadd.f32 $0.0e+00, v24;
	v28 =	vsub.f32 v15, v4  }
0x87: {  	v29 =	vsel vm0, $0x3F800000, v1;
	v4 =	vmul.f32 v5, v27;
	v17 =	vmul.f32 v10, v17  }
0x88: {  	v30 =	vmul.f32 v27, v27;
	v25 =	vsub.f32 v8, v25;
	v23 =	vsub.f32 v8, v23  }
0x89: {  	v31 =	vmul.f32 v24, v24;
	v10 =	vsub.f32 $0.0e+00, v4;
	v4 =	vsub.f32 v15, v26  }
0x8a: {  	v21 =	vmul.f32 v21, v14;
	v15 =	vadd.f32 $0.0e+00, v27;
	v26 =	vmul.f32 v5, v24;
	v32 =	vld [tilespmem:s14+$0xFFFFFF9D]  }
0x8b: {  	v33 =	vadd.f32 v31, v30;
	v25 =	vmul.f32 v25, v14;
	v34 =	vmul.f32 v17, v17  }
0x8c: {  	v35 =	vmul.f32 v24, v27;
	v22 =	vadd.f32 v21, v22;
	v14 =	vmul.f32 v13, v6;
	v36 =	vld [tilespmem:s18+$0xFFFFFF9D]  }
0x8d: {  	v38 =	vmul.f32 v21, v12;
	v39 =	vmul.f32 v13, v17;
	v37 =	vadd.f32 v12, v15  }
0x8e: {  	v40 =	vmul.f32 v5, v5;
	v35 =	vsub.f32 $0.0e+00, v35;
	v15 =	vmul.f32 v20, v19  }
0x8f: {  	v41 =	vmul.f32 v13, v13;
	v20 =	vmul.f32 v21, v21;
	v37 =	vadd.f32 v6, v37  }
0x90: {  	v42 =	vmul.f32 v12, v12;
	v22 =	vadd.f32 v17, v22;
	v8 =	vsub.f32 v8, v32  }
0x91: {  	v30 =	vadd.f32 v40, v30;
	v32 =	vsub.f32 v35, v38;
	v35 =	vmul.f32 v18, v11;
	v18 =	vld [tilespmem:s18+$0xFFFFFF9E]  }
0x92: {  	s16 =	sand.u32 $0x3F0, s20;
	v19 =	vmul.f32 v4, v19;
	v4 =	vmul.f32 v23, v29;
	v36 =	vsub.f32 v16, v36;
	[tilespmem:s19+$0x0] =	vst v27  }
0x93: {  	v23 =	vadd.f32 v42, v33;
	v33 =	vmul.f32 v35, v35;
	v27 =	vmul.f32 v8, v11;
	[tilespmem:s16+$0x1E80] =	vst v13  }
0x94: {  	v38 =	vmul.f32 v25, v25;
	v8 =	vadd.f32 v35, v22;
	v22 =	vmul.f32 v19, v15;
	[tilespmem:s16+$0x2380] =	vst v35  }
0x95: {  	v43 =	vmul.f32 v25, v21;
	v23 =	vadd.f32 v20, v23;
	v36 =	vmul.f32 v36, v11;
	[tilespmem:s16+$0x2B00] =	vst v19  }
0x96: {  	v30 =	vadd.f32 v42, v30;
	v42 =	vmul.f32 v27, v35;
	v11 =	vsub.f32 v16, v18;
	[tilespmem:s16+$0x2600] =	vst v27  }
0x97: {  	v18 =	vmul.f32 v17, v6;
	v16 =	vadd.f32 v36, v37;
	v37 =	vadd.f32 v19, v8;
	[tilespmem:s16+$0x2100] =	vst v36  }
0x98: {  	v44 =	vmul.f32 v19, v19;
	v23 =	vadd.f32 v7, v23;
	v45 =	vmul.f32 v11, v29;
	[tilespmem:s16+$0x1480] =	vst v21  }
0x99: {  	v8 =	vmul.f32 v15, v15;
	v21 =	vmul.f32 v36, v36;
	v46 =	vadd.f32 v15, v16;
	[tilespmem:s16+$0x1C00] =	vst v17  }
0x9a: {  	v31 =	vadd.f32 v40, v31;
	v28 =	vmul.f32 v28, v29;
	v16 =	vmul.f32 v27, v27;
	[tilespmem:s16+$0x3000] =	vst v45  }
0x9b: {  	v26 =	vsub.f32 $0.0e+00, v26;
	v23 =	vadd.f32 v34, v23;
	v11 =	vmul.f32 v4, v45;
	[tilespmem:s16+$0x2880] =	vst v15  }
0x9c: {  	v29 =	vsub.f32 v32, v18;
	v32 =	vadd.f32 v45, v46;
	v17 =	vmul.f32 v28, v45;
	[tilespmem:s16+$0x3280] =	vst v28  }
0x9d: {  	v20 =	vadd.f32 v20, v31;
	v18 =	vmul.f32 v4, v28;
	v23 =	vadd.f32 v21, v23;
	[tilespmem:s16+$0xD00] =	vst v24  }
0x9e: {  	v26 =	vsub.f32 v26, v43;
	v24 =	vadd.f32 v25, v9;
	v9 =	vmul.f32 v45, v45;
	[tilespmem:s16+$0x3780] =	vst v32  }
0x9f: {  	v20 =	vadd.f32 v38, v20;
	v31 =	vmul.f32 v35, v36;
	v23 =	vadd.f32 v33, v23;
	[tilespmem:s16+$0xF80] =	vst v5  }
0xa0: {  	v13 =	vadd.f32 v13, v24;
	v24 =	vsub.f32 v26, v39;
	v5 =	vmul.f32 v28, v28;
	[tilespmem:s16+$0x1200] =	vst v12  }
0xa1: {  	v29 =	vsub.f32 v29, v31;
	v26 =	vadd.f32 v38, v30;
	v30 =	vmul.f32 v27, v36;
	[tilespmem:s16+$0x1700] =	vst v25  }
0xa2: {  	v25 =	vmul.f32 v25, v12;
	v12 =	vadd.f32 v34, v20;
	v20 =	vadd.f32 v8, v23;
	[tilespmem:s16+$0x1980] =	vst v6  }
0xa3: {  	v7 =	vadd.f32 v7, v26;
	v6 =	vsub.f32 v29, v22;
	v22 =	vmul.f32 v2, v19;
	[tilespmem:s16+$0x2D80] =	vst v2  }
0xa4: {  	v19 =	vadd.f32 v41, v12;
	v12 =	vadd.f32 v44, v20;
	[tilespmem:s16+$0x3500] =	vst v4  }
0xa5: {  	v7 =	vadd.f32 v41, v7;
	v20 =	vsub.f32 v24, v42  }
0xa6: {  	v10 =	vsub.f32 v10, v25;
	v23 =	vadd.f32 v33, v19  }
.Ltmp0:
0xa7: {  	v19 =	vadd.f32 v21, v7;
	(pc) =	sbr.rel @p0 .LBB2_2-.Ltmp0, $4  }
0xa8: {  	v21 =	vadd.f32 v16, v23;
	v23 =	vadd.f32 v28, v37  }
0xa9: {  	v10 =	vsub.f32 v10, v14;
	v7 =	vadd.f32 v27, v13  }
0xaa: {  	v14 =	vsub.f32 v20, v22;
	v13 =	vadd.f32 v44, v21;
	[tilespmem:s16+$0x3A00] =	vst v23  }
0xab: {  	s18 =	sadd.s32 $0x10, s18;
	v15 =	vmul.f32 v2, v15;
	v20 =	vsub.f32 v10, v30;
	v10 =	vmul.f32 v4, v4  }
0xac: {  	v16 =	vadd.f32 v16, v19;
	_ =	sdelay $0x1  }
0xad: {  	v8 =	vadd.f32 v8, v16;
	_ =	sdelay $0x1  }
0xae: {  	v12 =	vadd.f32 v9, v12;
	v8 =	vadd.f32 v3, v8  }
0xaf: {  	v14 =	vsub.f32 v14, v18;
	v15 =	vsub.f32 v20, v15  }
0xb0: {  	v6 =	vsub.f32 v6, v17;
	v8 =	vadd.f32 v9, v8  }
0xb1: {  	v49 =	vadd.f32 v5, v12;
	v48 =	vsub.f32 v15, v11  }
0xb2: {  	v3 =	vadd.f32 v3, v13;
	v8 =	vadd.f32 v10, v8  }
0xb3: {  	v12 =	vmul.f32 v49, v6;
	v50 =	vmul.f32 v48, v14  }
0xb4: {  	v51 =	vmul.f32 v14, v14;
	v3 =	vadd.f32 v5, v3;
	v52 =	vmul.f32 v8, v49  }
0xb5: {  	v53 =	vmul.f32 v14, v6;
	v54 =	vsub.f32 v12, v50  }
0xb6: {  	v3 =	vadd.f32 v10, v3;
	v55 =	vmul.f32 v48, v8;
	v5 =	vsub.f32 v52, v51;
	_ =	sdelay $0x1  }
0xb7: {  	v56 =	vmul.f32 v54, v6;
	v10 =	vsub.f32 v53, v55;
	v57 =	vmul.f32 v5, v3;
	_ =	sdelay $0x1  }
0xb8: {  	v16 =	vmul.f32 v10, v48;
	v15 =	vsub.f32 v57, v56;
	_ =	sdelay $0x1  }
0xb9: {  	v15 =	vadd.f32 v15, v16;
	_ =	sdelay $0x1  }
0xba: {  	(erf) = vrcp.f32 v15;
	_ =	sdelay $0x6  }
0xbb: {  	v2 =	vadd.f32 v2, v7;
	v58 =	vmul.f32 v48, v6  }
0xbc: {  	v9 =	vmul.f32 v48, v48;
	v11 =	vmul.f32 v3, v49  }
0xbd: {  	v2 =	vadd.f32 v4, v2;
	v59 =	vmul.f32 v8, v3;
	v3 =	vmul.f32 v14, v3;
	v60 =	vpop (erf)  }
0xbe: {  	v9 =	vsub.f32 v11, v9;
	v5 =	vmul.f32 v60, v5  }
0xbf: {  	[tilespmem:s16+$0x3C80] =	vst v2;
	v6 =	vmul.f32 v6, v6;
	v2 =	vsub.f32 v58, v3;
	v3 =	vmul.f32 v60, v10  }
0xc0: {  	v62 =	vsub.f32 v50, v12;
	v61 =	vmul.f32 v60, v9;
	[tilespmem:s16+$0x3F00] =	vst v5  }
0xc1: {  	v4 =	vsub.f32 v59, v6;
	v2 =	vmul.f32 v60, v2;
	[tilespmem:s16+$0x4400] =	vst v3  }
0xc2: {  	v63 =	vmul.f32 v60, v62;
	[tilespmem:s16+$0x4680] =	vst v61  }
0xc3: {  	s13 =	sadd.s32 $0x1, s13;
	v3 =	vmul.f32 v60, v4;
	[tilespmem:s16+$0x4900] =	vst v2  }
0xc4: {  	p0 =	sne.s32 s13, s8;
	[tilespmem:s16+$0x4180] =	vst v63  }
.Ltmp1:
0xc5: {  	[tilespmem:s16+$0x4B80] =	vst v3;
	(pc) =	sbr.rel @p0 .LBB2_1-.Ltmp1, $4  }
0xc6: {  	[hbm4b:s7+s3] =	stream.linear.scatter [tilespmem:s12], [sflag:$0x1], $0x4380, $0x38;
	[tilespmem:$0x4E00] =	vst v63  }
0xc7: {  	_ =	swait.ge [sflag:s9], $0x4380  }
0xc8: {  	[sflag:s9] =	ssyncset.done $0x0  }
0xc9: {  	[sflag:s9] =	ssyncadd.s32 $0xFFFFBC80  }
0xca: {  	_ =	sfence.sel $0x180000  }
0xcb: {  	[bflag:$0x0] =	sbarrier.arrive $0xFFFF  }
0xcc: {  	p0 =	sne.s32 s0, $0x0;
	_ =	strace $0x90000047  }
0xcd: {  	s0 =	sadd.s32 @!p0 $0x100000, s1;
	[bflag:$0x2] =	sbarrier.arrive $0xFFFF  }
0xce: {  	[sflag:s0] =	ssyncadd.tile.s32 @!p0 $0x1;
	_ =	shalt  }
.Lfunc_end2:
_tile_overlayer_lowered:
.L_overlay_start_2:
0xcf: {  	(tag) =	ssettag $0x2  }
0xd0: {  	s0 =	rddreg [dreg:$0x0];
	s2 =	stileid.u32  }
0xd1: {  	s1 =	rddreg [dreg:$0x1];
	p0 =	sne.s32 s2, $0x0  }
0xd2: {  	s3 =	rddreg [dreg:$0x2];
	[bflag:$0x3] =	sbarrier.arrive $0xFFFF;
	s2 =	simm.s32 @!p0 $0x1C01  }
0xd3: {  	[timem:s3], [sflag:s2] =	dma.local @!p0 [hbm:s0], s1  }
0xd4: {  	s0 =	simm.s32 @!p0 $0x1  }
0xd5: {  	_ =	swait.ge @!p0 [sflag:s0], s1  }
0xd6: {  	s1 =	ssub.s32 @!p0 $0x0, s1;
	[sflag:s0] =	ssyncset.done @!p0 $0x0  }
0xd7: {  	[sflag:s0] =	ssyncadd.s32 @!p0 s1  }
0xd8: {  	[bflag:$0x3] =	sbarrier.arrive $0xFFFF  }
0xd9: {  	_ =	shalt  }

</sc_bundles>
